<compile_context>
chip_gen: v7x
topology: tpu7x:2x2x1
jax: 0.10.2.dev20260603
libtpu: 0.0.44.dev20260713+nightly
codegen_flags: <defaults>
</compile_context>

<pallas_src>
import jax
import jax.numpy as jnp
from jax import lax
from jax.experimental import pallas as pl
from jax.experimental.pallas import tpu as pltpu
from jax.experimental.pallas import tpu_sc as plsc

N = 10000
E = 160000
D = 256
DH = 128
DE = 16
DEA = 128
DOUT = 256

NTILES = 16
EPT = E // NTILES
B = 80
NBLK = EPT // B
RPT = 632



LAST = N - (NTILES - 1) * RPT


def _rowcopy(s, src_slot, dst_slot):
    @pl.when(s < NTILES - 1)
    def _():
        pltpu.sync_copy(src_slot(s * RPT, RPT), dst_slot(s * RPT, RPT))

    @pl.when(s == NTILES - 1)
    def _():
        base = (NTILES - 1) * RPT
        pltpu.sync_copy(src_slot(base, LAST), dst_slot(base, LAST))


def _sc_x_body(srcadj, dsts, xt, zx, out_x, acc_x,
               srci0, srci1, srci2, dsti0, dsti1, dsti2,
               rows0, rows1, rows2,
               sem0, sem1, sem2, dsem0, dsem1, dsem2):
    c = lax.axis_index("c")
    s = lax.axis_index("s")

    for h in range(2):
        p = 2 * c + h
        _rowcopy(s, lambda o, n: zx.at[pl.ds(0, n)],
                 lambda o, n: acc_x.at[pl.ds(o, n)])
        plsc.subcore_barrier()

        slots = ((srci0, dsti0, rows0, sem0, dsem0),
                 (srci1, dsti1, rows1, sem1, dsem1),
                 (srci2, dsti2, rows2, sem2, dsem2))

        def start(i, slot):
            srci, dsti, rows, sem, dsem = slots[slot]
            ebase = pl.multiple_of(c * E + s * EPT + i * B, 8)
            pltpu.async_copy(dsts.at[pl.ds(ebase, B)], dsti, dsem)
            base = pl.multiple_of(p * E + s * EPT + i * B, 8)
            pltpu.sync_copy(srcadj.at[pl.ds(base, B)], srci)
            pltpu.async_copy(xt.at[srci], rows, sem)

        def finish(i, slot):
            srci, dsti, rows, sem, dsem = slots[slot]
            ebase = pl.multiple_of(c * E + s * EPT + i * B, 8)
            pltpu.make_async_copy(dsts.at[pl.ds(ebase, B)], dsti, dsem).wait()
            pltpu.make_async_copy(xt.at[srci], rows, sem).wait()
            pltpu.sync_copy(rows, acc_x.at[dsti], add=True)

        start(0, 0)
        start(1, 1)

        def blk(j, carry):
            i = 3 * j

            @pl.when(i + 2 < NBLK)
            def _():
                start(i + 2, 2)

            finish(i, 0)

            @pl.when(i + 3 < NBLK)
            def _():
                start(i + 3, 0)

            @pl.when(i + 1 < NBLK)
            def _():
                finish(i + 1, 1)

            @pl.when(i + 4 < NBLK)
            def _():
                start(i + 4, 1)

            @pl.when(i + 2 < NBLK)
            def _():
                finish(i + 2, 2)

            return carry

        lax.fori_loop(0, (NBLK + 2) // 3, blk, 0)
        plsc.subcore_barrier()
        _rowcopy(s, lambda o, n: acc_x.at[pl.ds(o, n)],
                 lambda o, n: out_x.at[pl.ds(pl.multiple_of(p * N + o, 8), n)])
        plsc.subcore_barrier()


def _sc_e_body(dsts, efa, ze, out_e, acc_e,
               dsti0, dsti1, efb0, efb1, sem0, sem1, dsem0, dsem1):
    c = lax.axis_index("c")
    s = lax.axis_index("s")

    _rowcopy(s, lambda o, n: ze.at[pl.ds(0, n)],
             lambda o, n: acc_e.at[pl.ds(o, n)])
    plsc.subcore_barrier()

    slots = ((dsti0, efb0, sem0, dsem0), (dsti1, efb1, sem1, dsem1))

    def start(i, slot):
        dsti, efb, sem, dsem = slots[slot]
        ebase = pl.multiple_of(c * E + s * EPT + i * B, 8)
        pltpu.async_copy(dsts.at[pl.ds(ebase, B)], dsti, dsem)
        pltpu.async_copy(efa.at[pl.ds(ebase, B)], efb, sem)

    def finish(i, slot):
        dsti, efb, sem, dsem = slots[slot]
        ebase = pl.multiple_of(c * E + s * EPT + i * B, 8)
        pltpu.make_async_copy(dsts.at[pl.ds(ebase, B)], dsti, dsem).wait()
        pltpu.make_async_copy(efa.at[pl.ds(ebase, B)], efb, sem).wait()
        pltpu.sync_copy(efb, acc_e.at[dsti], add=True)

    start(0, 0)

    def blk(j, carry):
        i = 2 * j

        @pl.when(i + 1 < NBLK)
        def _():
            start(i + 1, 1)

        finish(i, 0)

        @pl.when(i + 2 < NBLK)
        def _():
            start(i + 2, 0)

        @pl.when(i + 1 < NBLK)
        def _():
            finish(i + 1, 1)

        return carry

    lax.fori_loop(0, (NBLK + 1) // 2, blk, 0)
    plsc.subcore_barrier()
    _rowcopy(s, lambda o, n: acc_e.at[pl.ds(o, n)],
             lambda o, n: out_e.at[pl.ds(pl.multiple_of(c * N + o, 8), n)])


def _sc_segment_sums(src0, dst0, ef0a, x0lo, x0hi,
                     src1, dst1, ef1a, x1lo, x1hi):
    xt = jnp.concatenate([x0lo, x0hi, x1lo, x1hi], axis=0)
    srcadj = jnp.concatenate(
        [src0, src0 + N, src1 + 2 * N, src1 + 3 * N])
    dsts = jnp.concatenate([dst0, dst1])
    efa = jnp.concatenate([ef0a, ef1a], axis=0)

    zx = jnp.zeros((RPT, DH), jnp.float32)
    ze = jnp.zeros((RPT, DEA), jnp.float32)
    mesh = plsc.VectorSubcoreMesh(core_axis_name="c", subcore_axis_name="s")
    fx = pl.kernel(
        _sc_x_body,
        out_type=jax.ShapeDtypeStruct((4 * N, DH), jnp.float32),
        mesh=mesh,
        scratch_types=[
            pltpu.VMEM_SHARED((N, DH), jnp.float32),
            pltpu.VMEM((B,), jnp.int32),
            pltpu.VMEM((B,), jnp.int32),
            pltpu.VMEM((B,), jnp.int32),
            pltpu.VMEM((B,), jnp.int32),
            pltpu.VMEM((B,), jnp.int32),
            pltpu.VMEM((B,), jnp.int32),
            pltpu.VMEM((B, DH), jnp.float32),
            pltpu.VMEM((B, DH), jnp.float32),
            pltpu.VMEM((B, DH), jnp.float32),
            pltpu.SemaphoreType.DMA,
            pltpu.SemaphoreType.DMA,
            pltpu.SemaphoreType.DMA,
            pltpu.SemaphoreType.DMA,
            pltpu.SemaphoreType.DMA,
            pltpu.SemaphoreType.DMA,
        ],
    )
    fe = pl.kernel(
        _sc_e_body,
        out_type=jax.ShapeDtypeStruct((2 * N, DEA), jnp.float32),
        mesh=mesh,
        scratch_types=[
            pltpu.VMEM_SHARED((N, DEA), jnp.float32),
            pltpu.VMEM((B,), jnp.int32),
            pltpu.VMEM((B,), jnp.int32),
            pltpu.VMEM((B, DEA), jnp.float32),
            pltpu.VMEM((B, DEA), jnp.float32),
            pltpu.SemaphoreType.DMA,
            pltpu.SemaphoreType.DMA,
            pltpu.SemaphoreType.DMA,
            pltpu.SemaphoreType.DMA,
        ],
    )
    return fx(srcadj, dsts, xt, zx), fe(dsts, efa, ze)



def _combine_body(wn, ws, wu, bn, bs, w1, w2, we, cv):
    wu_n = wu[0:DOUT, :]
    wu_e = wu[DOUT:DOUT + DE, :]
    wu_s = wu[DOUT + DE:, :]
    w1[...] = jnp.dot(wn[...], wu_n, preferred_element_type=jnp.float32)
    w2[...] = jnp.dot(ws[...], wu_s, preferred_element_type=jnp.float32)
    we[...] = wu_e
    cv[...] = (jnp.dot(bn[...], wu_n, preferred_element_type=jnp.float32)
               + jnp.dot(bs[...], wu_s, preferred_element_type=jnp.float32))


def _combine(wn, ws, wu, bn, bs):
    return pl.pallas_call(
        _combine_body,
        out_shape=(
            jax.ShapeDtypeStruct((D, DOUT), jnp.float32),
            jax.ShapeDtypeStruct((D, DOUT), jnp.float32),
            jax.ShapeDtypeStruct((DE, DOUT), jnp.float32),
            jax.ShapeDtypeStruct((1, DOUT), jnp.float32),
        ),
    )(wn, ws, wu, bn.reshape(1, D), bs.reshape(1, D))


RB = 400


def _out_body(sx_lo, sx_hi, sea, xs, w1, w2, we, cv, bu, out):
    se = sea[:, 0:DE]
    deg = sea[:, DE:DE + 1]
    acc = jnp.dot(sx_lo[...], w1[0:DH, :], preferred_element_type=jnp.float32)
    acc += jnp.dot(sx_hi[...], w1[DH:, :], preferred_element_type=jnp.float32)
    acc += jnp.dot(xs[...] * deg, w2[...], preferred_element_type=jnp.float32)
    acc += jnp.dot(se, we[...], preferred_element_type=jnp.float32)
    acc += deg * cv[...]
    acc += bu[...]
    out[...] = acc


def _dense_out(sx_lo, sx_hi, sea, xs, w1, w2, we, cv, bu):
    grid = (N // RB,)
    row = lambda i: (i, 0)
    fix = lambda i: (0, 0)
    return pl.pallas_call(
        _out_body,
        grid=grid,
        in_specs=[
            pl.BlockSpec((RB, DH), row),
            pl.BlockSpec((RB, DH), row),
            pl.BlockSpec((RB, DEA), row),
            pl.BlockSpec((RB, D), row),
            pl.BlockSpec((D, DOUT), fix),
            pl.BlockSpec((D, DOUT), fix),
            pl.BlockSpec((DE, DOUT), fix),
            pl.BlockSpec((1, DOUT), fix),
            pl.BlockSpec((1, DOUT), fix),
        ],
        out_specs=pl.BlockSpec((RB, DOUT), row),
        out_shape=jax.ShapeDtypeStruct((N, DOUT), jnp.float32),
    )(sx_lo, sx_hi, sea, xs, w1, w2, we, cv, bu)



def kernel(x_n0, x_n1, edge_index_0, edge_feature_0,
           edge_index_1, edge_feature_1,
           Wn0, bn0, Ws0, bs0, Wu0, bu0,
           Wn1, bn1, Ws1, bs1, Wu1, bu1):
    src0 = edge_index_0[0].astype(jnp.int32)
    dst0 = edge_index_0[1].astype(jnp.int32)
    src1 = edge_index_1[0].astype(jnp.int32)
    dst1 = edge_index_1[1].astype(jnp.int32)

    x0lo, x0hi = x_n0[:, :DH], x_n0[:, DH:]
    x1lo, x1hi = x_n1[:, :DH], x_n1[:, DH:]

    pad = jnp.concatenate(
        [jnp.ones((E, 1), jnp.float32), jnp.zeros((E, DEA - DE - 1), jnp.float32)],
        axis=1)
    ef0a = jnp.concatenate([edge_feature_0, pad], axis=1)
    ef1a = jnp.concatenate([edge_feature_1, pad], axis=1)

    sx, sea = _sc_segment_sums(src0, dst0, ef0a, x0lo, x0hi,
                               src1, dst1, ef1a, x1lo, x1hi)

    w10, w20, we0, cv0 = _combine(Wn0, Ws0, Wu0, bn0, bs0)
    w11, w21, we1, cv1 = _combine(Wn1, Ws1, Wu1, bn1, bs1)

    emb_n1 = _dense_out(sx[0:N], sx[N:2 * N], sea[0:N], x_n1,
                        w10, w20, we0, cv0, bu0.reshape(1, DOUT))
    emb_n0 = _dense_out(sx[2 * N:3 * N], sx[3 * N:], sea[N:], x_n0,
                        w11, w21, we1, cv1, bu1.reshape(1, DOUT))
    return (emb_n0, emb_n1)

# --- scband reference (transcript-rebuilt; emitter-appended) ---
"""Pipeline reference for scband-hetero-general-edge-conv-43903155699855 (READ-ONLY COPY).

The authoritative reference and input builder live on the scoring server;
editing this copy changes nothing except your own understanding.
"""

import jax, jax.numpy as jnp
import numpy as np

N0 = 10000
N1 = 10000
E = 160000
D = 256
DE = 16
DOUT = 256

# cfg assumptions: cfg.gnn.agg='add' (MessagePassing aggr), cfg.gnn.msg_direction='both',
# cfg.dataset.edge_dim=16, cfg.dataset.message_types=[('n0','e0','n1'), ('n1','e1','n0')],
# HeteroGNNWrapperConv aggr='mean' (each node type receives exactly one message type here).

def _mk_linear(k, fan_in, fan_out):
    k1, k2 = jax.random.split(k)
    lim = 1.0 / np.sqrt(fan_in)
    W = jax.random.uniform(k1, (fan_in, fan_out), jnp.float32, -lim, lim)
    b = jax.random.uniform(k2, (fan_out,), jnp.float32, -lim, lim)
    return W, b

def setup_inputs(seed: int = 0) -> dict:
    key = jax.random.key(seed)
    ks = jax.random.split(key, 12)
    inp = {}
    inp['x_n0'] = jax.random.normal(ks[0], (N0, D), jnp.float32)
    inp['x_n1'] = jax.random.normal(ks[1], (N1, D), jnp.float32)
    inp['edge_index_0'] = jnp.stack([
        jax.random.randint(ks[2], (E,), 0, N0),
        jax.random.randint(ks[3], (E,), 0, N1)], axis=0).astype(jnp.int64)
    inp['edge_feature_0'] = jax.random.normal(ks[4], (E, DE), jnp.float32)
    inp['edge_index_1'] = jnp.stack([
        jax.random.randint(ks[5], (E,), 0, N1),
        jax.random.randint(ks[6], (E,), 0, N0)], axis=0).astype(jnp.int64)
    inp['edge_feature_1'] = jax.random.normal(ks[7], (E, DE), jnp.float32)
    # per-message-type EdgeConvLayer params
    kk = jax.random.split(ks[8], 6)
    inp['Wn0'], inp['bn0'] = _mk_linear(kk[0], D, DOUT)
    inp['Ws0'], inp['bs0'] = _mk_linear(kk[1], D, DOUT)
    inp['Wu0'], inp['bu0'] = _mk_linear(kk[2], 2 * DOUT + DE, DOUT)
    inp['Wn1'], inp['bn1'] = _mk_linear(kk[3], D, DOUT)
    inp['Ws1'], inp['bs1'] = _mk_linear(kk[4], D, DOUT)
    inp['Wu1'], inp['bu1'] = _mk_linear(kk[5], 2 * DOUT + DE, DOUT)
    return inp

def _edge_conv(x_neigh, x_self, edge_index, edge_feat, Wn, bn, Ws, bs, Wu, bu):
    src = edge_index[0]
    dst = edge_index[1]
    # message(): msg_direction == 'both'
    h_neigh = x_neigh[src] @ Wn + bn
    h_self = x_self[dst] @ Ws + bs
    msg = jnp.concatenate([h_neigh, edge_feat, h_self], axis=-1)
    # aggregate (aggr='add') over destination nodes
    agg = jax.ops.segment_sum(msg, dst, num_segments=x_self.shape[0])
    # update()
    return agg @ Wu + bu

def reference(x_n0, x_n1, edge_index_0, edge_feature_0, edge_index_1, edge_feature_1,
              Wn0, bn0, Ws0, bs0, Wu0, bu0, Wn1, bn1, Ws1, bs1, Wu1, bu1):
    # message type ('n0','e0','n1'): neigh=n0, self=n1 -> contributes to n1
    emb_n1 = _edge_conv(x_n0, x_n1, edge_index_0, edge_feature_0, Wn0, bn0, Ws0, bs0, Wu0, bu0)
    # message type ('n1','e1','n0'): neigh=n1, self=n0 -> contributes to n0
    emb_n0 = _edge_conv(x_n1, x_n0, edge_index_1, edge_feature_1, Wn1, bn1, Ws1, bs1, Wu1, bu1)
    # HeteroGNNWrapperConv: each node type has exactly one incoming message type,
    # so aggregate('mean') is identity over the single emb.
    return (emb_n0, emb_n1)

if __name__ == "__main__":
    import jax
    _d = setup_inputs()
    print(jax.jit(kernel)(*tuple(_d.values())))

</pallas_src>

<mosaic_0001>
#map = affine_map<(d0, d1) -> (0)>
#map1 = affine_map<(d0, d1) -> (0, 0)>
module attributes {stable_mosaic.version = 14 : i64} {
  func.func @_sc_x_body(%arg0: i32, %arg1: i32, %arg2: memref<640000xi32, #tpu.memory_space<hbm>>, %arg3: memref<320000xi32, #tpu.memory_space<hbm>>, %arg4: memref<40000x128xf32, #tpu.memory_space<hbm>>, %arg5: memref<632x128xf32, #tpu.memory_space<hbm>>, %arg6: memref<40000x128xf32, #tpu.memory_space<hbm>>, %arg7: memref<10000x128xf32, #tpu.memory_space<vmem_shared>>, %arg8: memref<80xi32, #tpu.memory_space<vmem>>, %arg9: memref<80xi32, #tpu.memory_space<vmem>>, %arg10: memref<80xi32, #tpu.memory_space<vmem>>, %arg11: memref<80xi32, #tpu.memory_space<vmem>>, %arg12: memref<80xi32, #tpu.memory_space<vmem>>, %arg13: memref<80xi32, #tpu.memory_space<vmem>>, %arg14: memref<80x128xf32, #tpu.memory_space<vmem>>, %arg15: memref<80x128xf32, #tpu.memory_space<vmem>>, %arg16: memref<80x128xf32, #tpu.memory_space<vmem>>, %arg17: memref<!tpu.dma_semaphore, #tpu.memory_space<semaphore_mem>>, %arg18: memref<!tpu.dma_semaphore, #tpu.memory_space<semaphore_mem>>, %arg19: memref<!tpu.dma_semaphore, #tpu.memory_space<semaphore_mem>>, %arg20: memref<!tpu.dma_semaphore, #tpu.memory_space<semaphore_mem>>, %arg21: memref<!tpu.dma_semaphore, #tpu.memory_space<semaphore_mem>>, %arg22: memref<!tpu.dma_semaphore, #tpu.memory_space<semaphore_mem>>) attributes {dimension_semantics = [#tpu.dimension_semantics<core_parallel>, #tpu.dimension_semantics<subcore_parallel>], iteration_bounds = array<i64: 2, 16>, scalar_prefetch = 0 : i64, scratch_operands = 16 : i64, tpu.core_type = #tpu.core_type<sc_vector_subcore>, window_params = [{transform_indices = #map}, {transform_indices = #map}, {transform_indices = #map1}, {transform_indices = #map1}, {transform_indices = #map1}]} {
    %mul3A = arith.constant 2 : i32
    %mul3A_0 = arith.muli %mul3A, %arg0 : i32
    %add3A = arith.constant 0 : i32
    %add3A_1 = arith.addi %mul3A_0, %add3A : i32
    %lt3A = arith.constant 15 : i32
    %lt3A_2 = arith.cmpi slt, %arg1, %lt3A : i32
    %convert_element_type3A = arith.extui %lt3A_2 : i1 to i32
    %cond3A = arith.constant 0 : i32
    %cond3A_3 = arith.cmpi ne, %convert_element_type3A, %cond3A : i32
    scf.if %cond3A_3 {
      %mul3A_140 = arith.constant 632 : i32
      %mul3A_141 = arith.muli %arg1, %mul3A_140 : i32
      %mul3A_142 = arith.constant 632 : i32
      %mul3A_143 = arith.muli %arg1, %mul3A_142 : i32
      "tpu.region"() ({
        %run_scoped3A = tpu.sem_alloc : memref<!tpu.dma_semaphore, #tpu.memory_space<semaphore_mem>>
        %dma_start3A_144 = arith.constant 0 : i32
        %dma_start3A_145 = tpu.memref_slice %arg7[%mul3A_143, %dma_start3A_144] : memref<10000x128xf32, #tpu.memory_space<vmem_shared>> -> memref<632x128xf32, #tpu.memory_space<vmem_shared>>
        %dma_start3A_146 = arith.constant 0 : i32
        %dma_start3A_147 = arith.constant 0 : i32
        %dma_start3A_148 = tpu.memref_slice %arg5[%dma_start3A_146, %dma_start3A_147] : memref<632x128xf32, #tpu.memory_space<hbm>> -> memref<632x128xf32, #tpu.memory_space<hbm>>
        tpu.enqueue_dma source(%dma_start3A_148 : memref<632x128xf32, #tpu.memory_space<hbm>>) target(%dma_start3A_145 : memref<632x128xf32, #tpu.memory_space<vmem_shared>>) target_semaphore(%run_scoped3A : memref<!tpu.dma_semaphore, #tpu.memory_space<semaphore_mem>>)
        %dma_wait3A = arith.constant 0 : i32
        %dma_wait3A_149 = tpu.memref_slice %arg7[%mul3A_143, %dma_wait3A] : memref<10000x128xf32, #tpu.memory_space<vmem_shared>> -> memref<632x128xf32, #tpu.memory_space<vmem_shared>>
        %dma_wait3A_150 = arith.constant 0 : i32
        %dma_wait3A_151 = arith.constant 0 : i32
        %dma_wait3A_152 = tpu.memref_slice %arg5[%dma_wait3A_150, %dma_wait3A_151] : memref<632x128xf32, #tpu.memory_space<hbm>> -> memref<632x128xf32, #tpu.memory_space<hbm>>
        tpu.wait_dma2 semaphore(%run_scoped3A : memref<!tpu.dma_semaphore, #tpu.memory_space<semaphore_mem>>) src(%dma_wait3A_152 : memref<632x128xf32, #tpu.memory_space<hbm>>) dst(%dma_wait3A_149 : memref<632x128xf32, #tpu.memory_space<vmem_shared>>)
        tpu.yield
      }) : () -> ()
    } else {
    }
    %eq3A = arith.constant 15 : i32
    %eq3A_4 = arith.cmpi eq, %arg1, %eq3A : i32
    %convert_element_type3A_5 = arith.extui %eq3A_4 : i1 to i32
    %cond3A_6 = arith.constant 0 : i32
    %cond3A_7 = arith.cmpi ne, %convert_element_type3A_5, %cond3A_6 : i32
    scf.if %cond3A_7 {
      "tpu.region"() ({
        %run_scoped3A = tpu.sem_alloc : memref<!tpu.dma_semaphore, #tpu.memory_space<semaphore_mem>>
        %dma_start3A_140 = arith.constant 9480 : i32
        %dma_start3A_141 = arith.constant 0 : i32
        %dma_start3A_142 = tpu.memref_slice %arg7[%dma_start3A_140, %dma_start3A_141] : memref<10000x128xf32, #tpu.memory_space<vmem_shared>> -> memref<520x128xf32, #tpu.memory_space<vmem_shared>>
        %dma_start3A_143 = arith.constant 0 : i32
        %dma_start3A_144 = arith.constant 0 : i32
        %dma_start3A_145 = tpu.memref_slice %arg5[%dma_start3A_143, %dma_start3A_144] : memref<632x128xf32, #tpu.memory_space<hbm>> -> memref<520x128xf32, #tpu.memory_space<hbm>>
        tpu.enqueue_dma source(%dma_start3A_145 : memref<520x128xf32, #tpu.memory_space<hbm>>) target(%dma_start3A_142 : memref<520x128xf32, #tpu.memory_space<vmem_shared>>) target_semaphore(%run_scoped3A : memref<!tpu.dma_semaphore, #tpu.memory_space<semaphore_mem>>)
        %dma_wait3A = arith.constant 9480 : i32
        %dma_wait3A_146 = arith.constant 0 : i32
        %dma_wait3A_147 = tpu.memref_slice %arg7[%dma_wait3A, %dma_wait3A_146] : memref<10000x128xf32, #tpu.memory_space<vmem_shared>> -> memref<520x128xf32, #tpu.memory_space<vmem_shared>>
        %dma_wait3A_148 = arith.constant 0 : i32
        %dma_wait3A_149 = arith.constant 0 : i32
        %dma_wait3A_150 = tpu.memref_slice %arg5[%dma_wait3A_148, %dma_wait3A_149] : memref<632x128xf32, #tpu.memory_space<hbm>> -> memref<520x128xf32, #tpu.memory_space<hbm>>
        tpu.wait_dma2 semaphore(%run_scoped3A : memref<!tpu.dma_semaphore, #tpu.memory_space<semaphore_mem>>) src(%dma_wait3A_150 : memref<520x128xf32, #tpu.memory_space<hbm>>) dst(%dma_wait3A_147 : memref<520x128xf32, #tpu.memory_space<vmem_shared>>)
        tpu.yield
      }) : () -> ()
    } else {
    }
    %barrier3A = arith.constant 0 : index
    tpu.barrier barrier_id(%barrier3A)
    %mul3A_8 = arith.constant 160000 : i32
    %mul3A_9 = arith.muli %arg0, %mul3A_8 : i32
    %mul3A_10 = arith.constant 10000 : i32
    %mul3A_11 = arith.muli %arg1, %mul3A_10 : i32
    %add3A_12 = arith.addi %mul3A_9, %mul3A_11 : i32
    %add3A_13 = arith.constant 0 : i32
    %add3A_14 = arith.addi %add3A_12, %add3A_13 : i32
    %multiple_of3A = tpu.assume_multiple %add3A_14, 8 : i32
    %dma_start3A = tpu.memref_slice %arg3[%multiple_of3A] : memref<320000xi32, #tpu.memory_space<hbm>> -> memref<80xi32, #tpu.memory_space<hbm>>
    %dma_start3A_15 = tpu.memref_slice %arg3[%multiple_of3A] : memref<320000xi32, #tpu.memory_space<hbm>> -> memref<80xi32, #tpu.memory_space<hbm>>
    tpu.enqueue_dma source(%dma_start3A_15 : memref<80xi32, #tpu.memory_space<hbm>>) target(%arg11 : memref<80xi32, #tpu.memory_space<vmem>>) target_semaphore(%arg20 : memref<!tpu.dma_semaphore, #tpu.memory_space<semaphore_mem>>)
    %mul3A_16 = arith.constant 160000 : i32
    %mul3A_17 = arith.muli %add3A_1, %mul3A_16 : i32
    %mul3A_18 = arith.constant 10000 : i32
    %mul3A_19 = arith.muli %arg1, %mul3A_18 : i32
    %add3A_20 = arith.addi %mul3A_17, %mul3A_19 : i32
    %add3A_21 = arith.constant 0 : i32
    %add3A_22 = arith.addi %add3A_20, %add3A_21 : i32
    %multiple_of3A_23 = tpu.assume_multiple %add3A_22, 8 : i32
    "tpu.region"() ({
      %run_scoped3A = tpu.sem_alloc : memref<!tpu.dma_semaphore, #tpu.memory_space<semaphore_mem>>
      %dma_start3A_140 = tpu.memref_slice %arg2[%multiple_of3A_23] : memref<640000xi32, #tpu.memory_space<hbm>> -> memref<80xi32, #tpu.memory_space<hbm>>
      %dma_start3A_141 = tpu.memref_slice %arg2[%multiple_of3A_23] : memref<640000xi32, #tpu.memory_space<hbm>> -> memref<80xi32, #tpu.memory_space<hbm>>
      tpu.enqueue_dma source(%dma_start3A_141 : memref<80xi32, #tpu.memory_space<hbm>>) target(%arg8 : memref<80xi32, #tpu.memory_space<vmem>>) target_semaphore(%run_scoped3A : memref<!tpu.dma_semaphore, #tpu.memory_space<semaphore_mem>>)
      %dma_wait3A = tpu.memref_slice %arg2[%multiple_of3A_23] : memref<640000xi32, #tpu.memory_space<hbm>> -> memref<80xi32, #tpu.memory_space<hbm>>
      %dma_wait3A_142 = tpu.memref_slice %arg2[%multiple_of3A_23] : memref<640000xi32, #tpu.memory_space<hbm>> -> memref<80xi32, #tpu.memory_space<hbm>>
      tpu.wait_dma2 semaphore(%run_scoped3A : memref<!tpu.dma_semaphore, #tpu.memory_space<semaphore_mem>>) src(%dma_wait3A_142 : memref<80xi32, #tpu.memory_space<hbm>>) dst(%arg8 : memref<80xi32, #tpu.memory_space<vmem>>)
      tpu.yield
    }) : () -> ()
    %dma_start3A_24 = arith.constant 0 : i32
    %dma_start3A_25 = arith.constant 0 : i32
    %dma_start3A_26 = tpu.memref_slice %arg4[%dma_start3A_24, %dma_start3A_25] : memref<40000x128xf32, #tpu.memory_space<hbm>> -> memref<40000x128xf32, #tpu.memory_space<hbm>>
    tpu.enqueue_indirect_dma source(%dma_start3A_26 : memref<40000x128xf32, #tpu.memory_space<hbm>>) target(%arg14 : memref<80x128xf32, #tpu.memory_space<vmem>>) offsets(%arg8 : memref<80xi32, #tpu.memory_space<vmem>>) semaphore(%arg17 : memref<!tpu.dma_semaphore, #tpu.memory_space<semaphore_mem>>)
    %mul3A_27 = arith.constant 160000 : i32
    %mul3A_28 = arith.muli %arg0, %mul3A_27 : i32
    %mul3A_29 = arith.constant 10000 : i32
    %mul3A_30 = arith.muli %arg1, %mul3A_29 : i32
    %add3A_31 = arith.addi %mul3A_28, %mul3A_30 : i32
    %add3A_32 = arith.constant 80 : i32
    %add3A_33 = arith.addi %add3A_31, %add3A_32 : i32
    %multiple_of3A_34 = tpu.assume_multiple %add3A_33, 8 : i32
    %dma_start3A_35 = tpu.memref_slice %arg3[%multiple_of3A_34] : memref<320000xi32, #tpu.memory_space<hbm>> -> memref<80xi32, #tpu.memory_space<hbm>>
    %dma_start3A_36 = tpu.memref_slice %arg3[%multiple_of3A_34] : memref<320000xi32, #tpu.memory_space<hbm>> -> memref<80xi32, #tpu.memory_space<hbm>>
    tpu.enqueue_dma source(%dma_start3A_36 : memref<80xi32, #tpu.memory_space<hbm>>) target(%arg12 : memref<80xi32, #tpu.memory_space<vmem>>) target_semaphore(%arg21 : memref<!tpu.dma_semaphore, #tpu.memory_space<semaphore_mem>>)
    %mul3A_37 = arith.constant 160000 : i32
    %mul3A_38 = arith.muli %add3A_1, %mul3A_37 : i32
    %mul3A_39 = arith.constant 10000 : i32
    %mul3A_40 = arith.muli %arg1, %mul3A_39 : i32
    %add3A_41 = arith.addi %mul3A_38, %mul3A_40 : i32
    %add3A_42 = arith.constant 80 : i32
    %add3A_43 = arith.addi %add3A_41, %add3A_42 : i32
    %multiple_of3A_44 = tpu.assume_multiple %add3A_43, 8 : i32
    "tpu.region"() ({
      %run_scoped3A = tpu.sem_alloc : memref<!tpu.dma_semaphore, #tpu.memory_space<semaphore_mem>>
      %dma_start3A_140 = tpu.memref_slice %arg2[%multiple_of3A_44] : memref<640000xi32, #tpu.memory_space<hbm>> -> memref<80xi32, #tpu.memory_space<hbm>>
      %dma_start3A_141 = tpu.memref_slice %arg2[%multiple_of3A_44] : memref<640000xi32, #tpu.memory_space<hbm>> -> memref<80xi32, #tpu.memory_space<hbm>>
      tpu.enqueue_dma source(%dma_start3A_141 : memref<80xi32, #tpu.memory_space<hbm>>) target(%arg9 : memref<80xi32, #tpu.memory_space<vmem>>) target_semaphore(%run_scoped3A : memref<!tpu.dma_semaphore, #tpu.memory_space<semaphore_mem>>)
      %dma_wait3A = tpu.memref_slice %arg2[%multiple_of3A_44] : memref<640000xi32, #tpu.memory_space<hbm>> -> memref<80xi32, #tpu.memory_space<hbm>>
      %dma_wait3A_142 = tpu.memref_slice %arg2[%multiple_of3A_44] : memref<640000xi32, #tpu.memory_space<hbm>> -> memref<80xi32, #tpu.memory_space<hbm>>
      tpu.wait_dma2 semaphore(%run_scoped3A : memref<!tpu.dma_semaphore, #tpu.memory_space<semaphore_mem>>) src(%dma_wait3A_142 : memref<80xi32, #tpu.memory_space<hbm>>) dst(%arg9 : memref<80xi32, #tpu.memory_space<vmem>>)
      tpu.yield
    }) : () -> ()
    %dma_start3A_45 = arith.constant 0 : i32
    %dma_start3A_46 = arith.constant 0 : i32
    %dma_start3A_47 = tpu.memref_slice %arg4[%dma_start3A_45, %dma_start3A_46] : memref<40000x128xf32, #tpu.memory_space<hbm>> -> memref<40000x128xf32, #tpu.memory_space<hbm>>
    tpu.enqueue_indirect_dma source(%dma_start3A_47 : memref<40000x128xf32, #tpu.memory_space<hbm>>) target(%arg15 : memref<80x128xf32, #tpu.memory_space<vmem>>) offsets(%arg9 : memref<80xi32, #tpu.memory_space<vmem>>) semaphore(%arg18 : memref<!tpu.dma_semaphore, #tpu.memory_space<semaphore_mem>>)
    %scan3A = arith.constant 0 : i32
    %scan3A_48 = arith.constant 0 : i32
    %scan3A_49 = arith.constant 42 : i32
    %scan3A_50 = arith.addi %scan3A_48, %scan3A_49 : i32
    %scan3A_51 = arith.constant 1 : i32
    scf.for %scan3A_140 = %scan3A_48 to %scan3A_50 step %scan3A_51  : i32 {
      %mul3A_141 = arith.constant 3 : i32
      %mul3A_142 = arith.muli %mul3A_141, %scan3A_140 : i32
      %add3A_143 = arith.constant 2 : i32
      %add3A_144 = arith.addi %mul3A_142, %add3A_143 : i32
      %lt3A_145 = arith.constant 125 : i32
      %lt3A_146 = arith.cmpi slt, %add3A_144, %lt3A_145 : i32
      %convert_element_type3A_147 = arith.extui %lt3A_146 : i1 to i32
      %cond3A_148 = arith.constant 0 : i32
      %cond3A_149 = arith.cmpi ne, %convert_element_type3A_147, %cond3A_148 : i32
      scf.if %cond3A_149 {
        %add3A_191 = arith.constant 2 : i32
        %add3A_192 = arith.addi %mul3A_142, %add3A_191 : i32
        %mul3A_193 = arith.constant 160000 : i32
        %mul3A_194 = arith.muli %arg0, %mul3A_193 : i32
        %mul3A_195 = arith.constant 10000 : i32
        %mul3A_196 = arith.muli %arg1, %mul3A_195 : i32
        %add3A_197 = arith.addi %mul3A_194, %mul3A_196 : i32
        %mul3A_198 = arith.constant 80 : i32
        %mul3A_199 = arith.muli %add3A_192, %mul3A_198 : i32
        %add3A_200 = arith.addi %add3A_197, %mul3A_199 : i32
        %multiple_of3A_201 = tpu.assume_multiple %add3A_200, 8 : i32
        %dma_start3A_202 = tpu.memref_slice %arg3[%multiple_of3A_201] : memref<320000xi32, #tpu.memory_space<hbm>> -> memref<80xi32, #tpu.memory_space<hbm>>
        %dma_start3A_203 = tpu.memref_slice %arg3[%multiple_of3A_201] : memref<320000xi32, #tpu.memory_space<hbm>> -> memref<80xi32, #tpu.memory_space<hbm>>
        tpu.enqueue_dma source(%dma_start3A_203 : memref<80xi32, #tpu.memory_space<hbm>>) target(%arg13 : memref<80xi32, #tpu.memory_space<vmem>>) target_semaphore(%arg22 : memref<!tpu.dma_semaphore, #tpu.memory_space<semaphore_mem>>)
        %mul3A_204 = arith.constant 160000 : i32
        %mul3A_205 = arith.muli %add3A_1, %mul3A_204 : i32
        %mul3A_206 = arith.constant 10000 : i32
        %mul3A_207 = arith.muli %arg1, %mul3A_206 : i32
        %add3A_208 = arith.addi %mul3A_205, %mul3A_207 : i32
        %mul3A_209 = arith.constant 80 : i32
        %mul3A_210 = arith.muli %add3A_192, %mul3A_209 : i32
        %add3A_211 = arith.addi %add3A_208, %mul3A_210 : i32
        %multiple_of3A_212 = tpu.assume_multiple %add3A_211, 8 : i32
        "tpu.region"() ({
          %run_scoped3A = tpu.sem_alloc : memref<!tpu.dma_semaphore, #tpu.memory_space<semaphore_mem>>
          %dma_start3A_216 = tpu.memref_slice %arg2[%multiple_of3A_212] : memref<640000xi32, #tpu.memory_space<hbm>> -> memref<80xi32, #tpu.memory_space<hbm>>
          %dma_start3A_217 = tpu.memref_slice %arg2[%multiple_of3A_212] : memref<640000xi32, #tpu.memory_space<hbm>> -> memref<80xi32, #tpu.memory_space<hbm>>
          tpu.enqueue_dma source(%dma_start3A_217 : memref<80xi32, #tpu.memory_space<hbm>>) target(%arg10 : memref<80xi32, #tpu.memory_space<vmem>>) target_semaphore(%run_scoped3A : memref<!tpu.dma_semaphore, #tpu.memory_space<semaphore_mem>>)
          %dma_wait3A_218 = tpu.memref_slice %arg2[%multiple_of3A_212] : memref<640000xi32, #tpu.memory_space<hbm>> -> memref<80xi32, #tpu.memory_space<hbm>>
          %dma_wait3A_219 = tpu.memref_slice %arg2[%multiple_of3A_212] : memref<640000xi32, #tpu.memory_space<hbm>> -> memref<80xi32, #tpu.memory_space<hbm>>
          tpu.wait_dma2 semaphore(%run_scoped3A : memref<!tpu.dma_semaphore, #tpu.memory_space<semaphore_mem>>) src(%dma_wait3A_219 : memref<80xi32, #tpu.memory_space<hbm>>) dst(%arg10 : memref<80xi32, #tpu.memory_space<vmem>>)
          tpu.yield
        }) : () -> ()
        %dma_start3A_213 = arith.constant 0 : i32
        %dma_start3A_214 = arith.constant 0 : i32
        %dma_start3A_215 = tpu.memref_slice %arg4[%dma_start3A_213, %dma_start3A_214] : memref<40000x128xf32, #tpu.memory_space<hbm>> -> memref<40000x128xf32, #tpu.memory_space<hbm>>
        tpu.enqueue_indirect_dma source(%dma_start3A_215 : memref<40000x128xf32, #tpu.memory_space<hbm>>) target(%arg16 : memref<80x128xf32, #tpu.memory_space<vmem>>) offsets(%arg10 : memref<80xi32, #tpu.memory_space<vmem>>) semaphore(%arg19 : memref<!tpu.dma_semaphore, #tpu.memory_space<semaphore_mem>>)
      } else {
      }
      %mul3A_150 = arith.constant 160000 : i32
      %mul3A_151 = arith.muli %arg0, %mul3A_150 : i32
      %mul3A_152 = arith.constant 10000 : i32
      %mul3A_153 = arith.muli %arg1, %mul3A_152 : i32
      %add3A_154 = arith.addi %mul3A_151, %mul3A_153 : i32
      %mul3A_155 = arith.constant 80 : i32
      %mul3A_156 = arith.muli %mul3A_142, %mul3A_155 : i32
      %add3A_157 = arith.addi %add3A_154, %mul3A_156 : i32
      %multiple_of3A_158 = tpu.assume_multiple %add3A_157, 8 : i32
      %dma_wait3A = tpu.memref_slice %arg3[%multiple_of3A_158] : memref<320000xi32, #tpu.memory_space<hbm>> -> memref<80xi32, #tpu.memory_space<hbm>>
      %dma_wait3A_159 = tpu.memref_slice %arg3[%multiple_of3A_158] : memref<320000xi32, #tpu.memory_space<hbm>> -> memref<80xi32, #tpu.memory_space<hbm>>
      tpu.wait_dma2 semaphore(%arg20 : memref<!tpu.dma_semaphore, #tpu.memory_space<semaphore_mem>>) src(%dma_wait3A_159 : memref<80xi32, #tpu.memory_space<hbm>>) dst(%arg11 : memref<80xi32, #tpu.memory_space<vmem>>)
      %dma_wait3A_160 = arith.constant 0 : i32
      %dma_wait3A_161 = arith.constant 0 : i32
      %dma_wait3A_162 = tpu.memref_slice %arg4[%dma_wait3A_160, %dma_wait3A_161] : memref<40000x128xf32, #tpu.memory_space<hbm>> -> memref<40000x128xf32, #tpu.memory_space<hbm>>
      tpu.wait_indirect_dma semaphore(%arg17 : memref<!tpu.dma_semaphore, #tpu.memory_space<semaphore_mem>>) src(%dma_wait3A_162 : memref<40000x128xf32, #tpu.memory_space<hbm>>) dst(%arg14 : memref<80x128xf32, #tpu.memory_space<vmem>>)
      "tpu.region"() ({
        %run_scoped3A = tpu.sem_alloc : memref<!tpu.dma_semaphore, #tpu.memory_space<semaphore_mem>>
        %dma_start3A_191 = arith.constant 0 : i32
        %dma_start3A_192 = arith.constant 0 : i32
        %dma_start3A_193 = tpu.memref_slice %arg7[%dma_start3A_191, %dma_start3A_192] : memref<10000x128xf32, #tpu.memory_space<vmem_shared>> -> memref<10000x128xf32, #tpu.memory_space<vmem_shared>>
        tpu.enqueue_indirect_dma source(%arg14 : memref<80x128xf32, #tpu.memory_space<vmem>>) target(%dma_start3A_193 : memref<10000x128xf32, #tpu.memory_space<vmem_shared>>) offsets(%arg11 : memref<80xi32, #tpu.memory_space<vmem>>) semaphore(%run_scoped3A : memref<!tpu.dma_semaphore, #tpu.memory_space<semaphore_mem>>) {add = true}
        %dma_wait3A_194 = arith.constant 0 : i32
        %dma_wait3A_195 = arith.constant 0 : i32
        %dma_wait3A_196 = tpu.memref_slice %arg7[%dma_wait3A_194, %dma_wait3A_195] : memref<10000x128xf32, #tpu.memory_space<vmem_shared>> -> memref<10000x128xf32, #tpu.memory_space<vmem_shared>>
        tpu.wait_indirect_dma semaphore(%run_scoped3A : memref<!tpu.dma_semaphore, #tpu.memory_space<semaphore_mem>>) src(%arg14 : memref<80x128xf32, #tpu.memory_space<vmem>>) dst(%dma_wait3A_196 : memref<10000x128xf32, #tpu.memory_space<vmem_shared>>)
        tpu.yield
      }) : () -> ()
      %add3A_163 = arith.constant 3 : i32
      %add3A_164 = arith.addi %mul3A_142, %add3A_163 : i32
      %lt3A_165 = arith.constant 125 : i32
      %lt3A_166 = arith.cmpi slt, %add3A_164, %lt3A_165 : i32
      %convert_element_type3A_167 = arith.extui %lt3A_166 : i1 to i32
      %cond3A_168 = arith.constant 0 : i32
      %cond3A_169 = arith.cmpi ne, %convert_element_type3A_167, %cond3A_168 : i32
      scf.if %cond3A_169 {
        %add3A_191 = arith.constant 3 : i32
        %add3A_192 = arith.addi %mul3A_142, %add3A_191 : i32
        %mul3A_193 = arith.constant 160000 : i32
        %mul3A_194 = arith.muli %arg0, %mul3A_193 : i32
        %mul3A_195 = arith.constant 10000 : i32
        %mul3A_196 = arith.muli %arg1, %mul3A_195 : i32
        %add3A_197 = arith.addi %mul3A_194, %mul3A_196 : i32
        %mul3A_198 = arith.constant 80 : i32
        %mul3A_199 = arith.muli %add3A_192, %mul3A_198 : i32
        %add3A_200 = arith.addi %add3A_197, %mul3A_199 : i32
        %multiple_of3A_201 = tpu.assume_multiple %add3A_200, 8 : i32
        %dma_start3A_202 = tpu.memref_slice %arg3[%multiple_of3A_201] : memref<320000xi32, #tpu.memory_space<hbm>> -> memref<80xi32, #tpu.memory_space<hbm>>
        %dma_start3A_203 = tpu.memref_slice %arg3[%multiple_of3A_201] : memref<320000xi32, #tpu.memory_space<hbm>> -> memref<80xi32, #tpu.memory_space<hbm>>
        tpu.enqueue_dma source(%dma_start3A_203 : memref<80xi32, #tpu.memory_space<hbm>>) target(%arg11 : memref<80xi32, #tpu.memory_space<vmem>>) target_semaphore(%arg20 : memref<!tpu.dma_semaphore, #tpu.memory_space<semaphore_mem>>)
        %mul3A_204 = arith.constant 160000 : i32
        %mul3A_205 = arith.muli %add3A_1, %mul3A_204 : i32
        %mul3A_206 = arith.constant 10000 : i32
        %mul3A_207 = arith.muli %arg1, %mul3A_206 : i32
        %add3A_208 = arith.addi %mul3A_205, %mul3A_207 : i32
        %mul3A_209 = arith.constant 80 : i32
        %mul3A_210 = arith.muli %add3A_192, %mul3A_209 : i32
        %add3A_211 = arith.addi %add3A_208, %mul3A_210 : i32
        %multiple_of3A_212 = tpu.assume_multiple %add3A_211, 8 : i32
        "tpu.region"() ({
          %run_scoped3A = tpu.sem_alloc : memref<!tpu.dma_semaphore, #tpu.memory_space<semaphore_mem>>
          %dma_start3A_216 = tpu.memref_slice %arg2[%multiple_of3A_212] : memref<640000xi32, #tpu.memory_space<hbm>> -> memref<80xi32, #tpu.memory_space<hbm>>
          %dma_start3A_217 = tpu.memref_slice %arg2[%multiple_of3A_212] : memref<640000xi32, #tpu.memory_space<hbm>> -> memref<80xi32, #tpu.memory_space<hbm>>
          tpu.enqueue_dma source(%dma_start3A_217 : memref<80xi32, #tpu.memory_space<hbm>>) target(%arg8 : memref<80xi32, #tpu.memory_space<vmem>>) target_semaphore(%run_scoped3A : memref<!tpu.dma_semaphore, #tpu.memory_space<semaphore_mem>>)
          %dma_wait3A_218 = tpu.memref_slice %arg2[%multiple_of3A_212] : memref<640000xi32, #tpu.memory_space<hbm>> -> memref<80xi32, #tpu.memory_space<hbm>>
          %dma_wait3A_219 = tpu.memref_slice %arg2[%multiple_of3A_212] : memref<640000xi32, #tpu.memory_space<hbm>> -> memref<80xi32, #tpu.memory_space<hbm>>
          tpu.wait_dma2 semaphore(%run_scoped3A : memref<!tpu.dma_semaphore, #tpu.memory_space<semaphore_mem>>) src(%dma_wait3A_219 : memref<80xi32, #tpu.memory_space<hbm>>) dst(%arg8 : memref<80xi32, #tpu.memory_space<vmem>>)
          tpu.yield
        }) : () -> ()
        %dma_start3A_213 = arith.constant 0 : i32
        %dma_start3A_214 = arith.constant 0 : i32
        %dma_start3A_215 = tpu.memref_slice %arg4[%dma_start3A_213, %dma_start3A_214] : memref<40000x128xf32, #tpu.memory_space<hbm>> -> memref<40000x128xf32, #tpu.memory_space<hbm>>
        tpu.enqueue_indirect_dma source(%dma_start3A_215 : memref<40000x128xf32, #tpu.memory_space<hbm>>) target(%arg14 : memref<80x128xf32, #tpu.memory_space<vmem>>) offsets(%arg8 : memref<80xi32, #tpu.memory_space<vmem>>) semaphore(%arg17 : memref<!tpu.dma_semaphore, #tpu.memory_space<semaphore_mem>>)
      } else {
      }
      %add3A_170 = arith.constant 1 : i32
      %add3A_171 = arith.addi %mul3A_142, %add3A_170 : i32
      %lt3A_172 = arith.constant 125 : i32
      %lt3A_173 = arith.cmpi slt, %add3A_171, %lt3A_172 : i32
      %convert_element_type3A_174 = arith.extui %lt3A_173 : i1 to i32
      %cond3A_175 = arith.constant 0 : i32
      %cond3A_176 = arith.cmpi ne, %convert_element_type3A_174, %cond3A_175 : i32
      scf.if %cond3A_176 {
        %add3A_191 = arith.constant 1 : i32
        %add3A_192 = arith.addi %mul3A_142, %add3A_191 : i32
        %mul3A_193 = arith.constant 160000 : i32
        %mul3A_194 = arith.muli %arg0, %mul3A_193 : i32
        %mul3A_195 = arith.constant 10000 : i32
        %mul3A_196 = arith.muli %arg1, %mul3A_195 : i32
        %add3A_197 = arith.addi %mul3A_194, %mul3A_196 : i32
        %mul3A_198 = arith.constant 80 : i32
        %mul3A_199 = arith.muli %add3A_192, %mul3A_198 : i32
        %add3A_200 = arith.addi %add3A_197, %mul3A_199 : i32
        %multiple_of3A_201 = tpu.assume_multiple %add3A_200, 8 : i32
        %dma_wait3A_202 = tpu.memref_slice %arg3[%multiple_of3A_201] : memref<320000xi32, #tpu.memory_space<hbm>> -> memref<80xi32, #tpu.memory_space<hbm>>
        %dma_wait3A_203 = tpu.memref_slice %arg3[%multiple_of3A_201] : memref<320000xi32, #tpu.memory_space<hbm>> -> memref<80xi32, #tpu.memory_space<hbm>>
        tpu.wait_dma2 semaphore(%arg21 : memref<!tpu.dma_semaphore, #tpu.memory_space<semaphore_mem>>) src(%dma_wait3A_203 : memref<80xi32, #tpu.memory_space<hbm>>) dst(%arg12 : memref<80xi32, #tpu.memory_space<vmem>>)
        %dma_wait3A_204 = arith.constant 0 : i32
        %dma_wait3A_205 = arith.constant 0 : i32
        %dma_wait3A_206 = tpu.memref_slice %arg4[%dma_wait3A_204, %dma_wait3A_205] : memref<40000x128xf32, #tpu.memory_space<hbm>> -> memref<40000x128xf32, #tpu.memory_space<hbm>>
        tpu.wait_indirect_dma semaphore(%arg18 : memref<!tpu.dma_semaphore, #tpu.memory_space<semaphore_mem>>) src(%dma_wait3A_206 : memref<40000x128xf32, #tpu.memory_space<hbm>>) dst(%arg15 : memref<80x128xf32, #tpu.memory_space<vmem>>)
        "tpu.region"() ({
          %run_scoped3A = tpu.sem_alloc : memref<!tpu.dma_semaphore, #tpu.memory_space<semaphore_mem>>
          %dma_start3A_207 = arith.constant 0 : i32
          %dma_start3A_208 = arith.constant 0 : i32
          %dma_start3A_209 = tpu.memref_slice %arg7[%dma_start3A_207, %dma_start3A_208] : memref<10000x128xf32, #tpu.memory_space<vmem_shared>> -> memref<10000x128xf32, #tpu.memory_space<vmem_shared>>
          tpu.enqueue_indirect_dma source(%arg15 : memref<80x128xf32, #tpu.memory_space<vmem>>) target(%dma_start3A_209 : memref<10000x128xf32, #tpu.memory_space<vmem_shared>>) offsets(%arg12 : memref<80xi32, #tpu.memory_space<vmem>>) semaphore(%run_scoped3A : memref<!tpu.dma_semaphore, #tpu.memory_space<semaphore_mem>>) {add = true}
          %dma_wait3A_210 = arith.constant 0 : i32
          %dma_wait3A_211 = arith.constant 0 : i32
          %dma_wait3A_212 = tpu.memref_slice %arg7[%dma_wait3A_210, %dma_wait3A_211] : memref<10000x128xf32, #tpu.memory_space<vmem_shared>> -> memref<10000x128xf32, #tpu.memory_space<vmem_shared>>
          tpu.wait_indirect_dma semaphore(%run_scoped3A : memref<!tpu.dma_semaphore, #tpu.memory_space<semaphore_mem>>) src(%arg15 : memref<80x128xf32, #tpu.memory_space<vmem>>) dst(%dma_wait3A_212 : memref<10000x128xf32, #tpu.memory_space<vmem_shared>>)
          tpu.yield
        }) : () -> ()
      } else {
      }
      %add3A_177 = arith.constant 4 : i32
      %add3A_178 = arith.addi %mul3A_142, %add3A_177 : i32
      %lt3A_179 = arith.constant 125 : i32
      %lt3A_180 = arith.cmpi slt, %add3A_178, %lt3A_179 : i32
      %convert_element_type3A_181 = arith.extui %lt3A_180 : i1 to i32
      %cond3A_182 = arith.constant 0 : i32
      %cond3A_183 = arith.cmpi ne, %convert_element_type3A_181, %cond3A_182 : i32
      scf.if %cond3A_183 {
        %add3A_191 = arith.constant 4 : i32
        %add3A_192 = arith.addi %mul3A_142, %add3A_191 : i32
        %mul3A_193 = arith.constant 160000 : i32
        %mul3A_194 = arith.muli %arg0, %mul3A_193 : i32
        %mul3A_195 = arith.constant 10000 : i32
        %mul3A_196 = arith.muli %arg1, %mul3A_195 : i32
        %add3A_197 = arith.addi %mul3A_194, %mul3A_196 : i32
        %mul3A_198 = arith.constant 80 : i32
        %mul3A_199 = arith.muli %add3A_192, %mul3A_198 : i32
        %add3A_200 = arith.addi %add3A_197, %mul3A_199 : i32
        %multiple_of3A_201 = tpu.assume_multiple %add3A_200, 8 : i32
        %dma_start3A_202 = tpu.memref_slice %arg3[%multiple_of3A_201] : memref<320000xi32, #tpu.memory_space<hbm>> -> memref<80xi32, #tpu.memory_space<hbm>>
        %dma_start3A_203 = tpu.memref_slice %arg3[%multiple_of3A_201] : memref<320000xi32, #tpu.memory_space<hbm>> -> memref<80xi32, #tpu.memory_space<hbm>>
        tpu.enqueue_dma source(%dma_start3A_203 : memref<80xi32, #tpu.memory_space<hbm>>) target(%arg12 : memref<80xi32, #tpu.memory_space<vmem>>) target_semaphore(%arg21 : memref<!tpu.dma_semaphore, #tpu.memory_space<semaphore_mem>>)
        %mul3A_204 = arith.constant 160000 : i32
        %mul3A_205 = arith.muli %add3A_1, %mul3A_204 : i32
        %mul3A_206 = arith.constant 10000 : i32
        %mul3A_207 = arith.muli %arg1, %mul3A_206 : i32
        %add3A_208 = arith.addi %mul3A_205, %mul3A_207 : i32
        %mul3A_209 = arith.constant 80 : i32
        %mul3A_210 = arith.muli %add3A_192, %mul3A_209 : i32
        %add3A_211 = arith.addi %add3A_208, %mul3A_210 : i32
        %multiple_of3A_212 = tpu.assume_multiple %add3A_211, 8 : i32
        "tpu.region"() ({
          %run_scoped3A = tpu.sem_alloc : memref<!tpu.dma_semaphore, #tpu.memory_space<semaphore_mem>>
          %dma_start3A_216 = tpu.memref_slice %arg2[%multiple_of3A_212] : memref<640000xi32, #tpu.memory_space<hbm>> -> memref<80xi32, #tpu.memory_space<hbm>>
          %dma_start3A_217 = tpu.memref_slice %arg2[%multiple_of3A_212] : memref<640000xi32, #tpu.memory_space<hbm>> -> memref<80xi32, #tpu.memory_space<hbm>>
          tpu.enqueue_dma source(%dma_start3A_217 : memref<80xi32, #tpu.memory_space<hbm>>) target(%arg9 : memref<80xi32, #tpu.memory_space<vmem>>) target_semaphore(%run_scoped3A : memref<!tpu.dma_semaphore, #tpu.memory_space<semaphore_mem>>)
          %dma_wait3A_218 = tpu.memref_slice %arg2[%multiple_of3A_212] : memref<640000xi32, #tpu.memory_space<hbm>> -> memref<80xi32, #tpu.memory_space<hbm>>
          %dma_wait3A_219 = tpu.memref_slice %arg2[%multiple_of3A_212] : memref<640000xi32, #tpu.memory_space<hbm>> -> memref<80xi32, #tpu.memory_space<hbm>>
          tpu.wait_dma2 semaphore(%run_scoped3A : memref<!tpu.dma_semaphore, #tpu.memory_space<semaphore_mem>>) src(%dma_wait3A_219 : memref<80xi32, #tpu.memory_space<hbm>>) dst(%arg9 : memref<80xi32, #tpu.memory_space<vmem>>)
          tpu.yield
        }) : () -> ()
        %dma_start3A_213 = arith.constant 0 : i32
        %dma_start3A_214 = arith.constant 0 : i32
        %dma_start3A_215 = tpu.memref_slice %arg4[%dma_start3A_213, %dma_start3A_214] : memref<40000x128xf32, #tpu.memory_space<hbm>> -> memref<40000x128xf32, #tpu.memory_space<hbm>>
        tpu.enqueue_indirect_dma source(%dma_start3A_215 : memref<40000x128xf32, #tpu.memory_space<hbm>>) target(%arg15 : memref<80x128xf32, #tpu.memory_space<vmem>>) offsets(%arg9 : memref<80xi32, #tpu.memory_space<vmem>>) semaphore(%arg18 : memref<!tpu.dma_semaphore, #tpu.memory_space<semaphore_mem>>)
      } else {
      }
      %add3A_184 = arith.constant 2 : i32
      %add3A_185 = arith.addi %mul3A_142, %add3A_184 : i32
      %lt3A_186 = arith.constant 125 : i32
      %lt3A_187 = arith.cmpi slt, %add3A_185, %lt3A_186 : i32
      %convert_element_type3A_188 = arith.extui %lt3A_187 : i1 to i32
      %cond3A_189 = arith.constant 0 : i32
      %cond3A_190 = arith.cmpi ne, %convert_element_type3A_188, %cond3A_189 : i32
      scf.if %cond3A_190 {
        %add3A_191 = arith.constant 2 : i32
        %add3A_192 = arith.addi %mul3A_142, %add3A_191 : i32
        %mul3A_193 = arith.constant 160000 : i32
        %mul3A_194 = arith.muli %arg0, %mul3A_193 : i32
        %mul3A_195 = arith.constant 10000 : i32
        %mul3A_196 = arith.muli %arg1, %mul3A_195 : i32
        %add3A_197 = arith.addi %mul3A_194, %mul3A_196 : i32
        %mul3A_198 = arith.constant 80 : i32
        %mul3A_199 = arith.muli %add3A_192, %mul3A_198 : i32
        %add3A_200 = arith.addi %add3A_197, %mul3A_199 : i32
        %multiple_of3A_201 = tpu.assume_multiple %add3A_200, 8 : i32
        %dma_wait3A_202 = tpu.memref_slice %arg3[%multiple_of3A_201] : memref<320000xi32, #tpu.memory_space<hbm>> -> memref<80xi32, #tpu.memory_space<hbm>>
        %dma_wait3A_203 = tpu.memref_slice %arg3[%multiple_of3A_201] : memref<320000xi32, #tpu.memory_space<hbm>> -> memref<80xi32, #tpu.memory_space<hbm>>
        tpu.wait_dma2 semaphore(%arg22 : memref<!tpu.dma_semaphore, #tpu.memory_space<semaphore_mem>>) src(%dma_wait3A_203 : memref<80xi32, #tpu.memory_space<hbm>>) dst(%arg13 : memref<80xi32, #tpu.memory_space<vmem>>)
        %dma_wait3A_204 = arith.constant 0 : i32
        %dma_wait3A_205 = arith.constant 0 : i32
        %dma_wait3A_206 = tpu.memref_slice %arg4[%dma_wait3A_204, %dma_wait3A_205] : memref<40000x128xf32, #tpu.memory_space<hbm>> -> memref<40000x128xf32, #tpu.memory_space<hbm>>
        tpu.wait_indirect_dma semaphore(%arg19 : memref<!tpu.dma_semaphore, #tpu.memory_space<semaphore_mem>>) src(%dma_wait3A_206 : memref<40000x128xf32, #tpu.memory_space<hbm>>) dst(%arg16 : memref<80x128xf32, #tpu.memory_space<vmem>>)
        "tpu.region"() ({
          %run_scoped3A = tpu.sem_alloc : memref<!tpu.dma_semaphore, #tpu.memory_space<semaphore_mem>>
          %dma_start3A_207 = arith.constant 0 : i32
          %dma_start3A_208 = arith.constant 0 : i32
          %dma_start3A_209 = tpu.memref_slice %arg7[%dma_start3A_207, %dma_start3A_208] : memref<10000x128xf32, #tpu.memory_space<vmem_shared>> -> memref<10000x128xf32, #tpu.memory_space<vmem_shared>>
          tpu.enqueue_indirect_dma source(%arg16 : memref<80x128xf32, #tpu.memory_space<vmem>>) target(%dma_start3A_209 : memref<10000x128xf32, #tpu.memory_space<vmem_shared>>) offsets(%arg13 : memref<80xi32, #tpu.memory_space<vmem>>) semaphore(%run_scoped3A : memref<!tpu.dma_semaphore, #tpu.memory_space<semaphore_mem>>) {add = true}
          %dma_wait3A_210 = arith.constant 0 : i32
          %dma_wait3A_211 = arith.constant 0 : i32
          %dma_wait3A_212 = tpu.memref_slice %arg7[%dma_wait3A_210, %dma_wait3A_211] : memref<10000x128xf32, #tpu.memory_space<vmem_shared>> -> memref<10000x128xf32, #tpu.memory_space<vmem_shared>>
          tpu.wait_indirect_dma semaphore(%run_scoped3A : memref<!tpu.dma_semaphore, #tpu.memory_space<semaphore_mem>>) src(%arg16 : memref<80x128xf32, #tpu.memory_space<vmem>>) dst(%dma_wait3A_212 : memref<10000x128xf32, #tpu.memory_space<vmem_shared>>)
          tpu.yield
        }) : () -> ()
      } else {
      }
    }
    %scan3A_52 = arith.constant 42 : i32
    %barrier3A_53 = arith.constant 0 : index
    tpu.barrier barrier_id(%barrier3A_53)
    %lt3A_54 = arith.constant 15 : i32
    %lt3A_55 = arith.cmpi slt, %arg1, %lt3A_54 : i32
    %convert_element_type3A_56 = arith.extui %lt3A_55 : i1 to i32
    %cond3A_57 = arith.constant 0 : i32
    %cond3A_58 = arith.cmpi ne, %convert_element_type3A_56, %cond3A_57 : i32
    scf.if %cond3A_58 {
      %mul3A_140 = arith.constant 632 : i32
      %mul3A_141 = arith.muli %arg1, %mul3A_140 : i32
      %mul3A_142 = arith.constant 632 : i32
      %mul3A_143 = arith.muli %arg1, %mul3A_142 : i32
      %mul3A_144 = arith.constant 10000 : i32
      %mul3A_145 = arith.muli %add3A_1, %mul3A_144 : i32
      %add3A_146 = arith.addi %mul3A_145, %mul3A_143 : i32
      %multiple_of3A_147 = tpu.assume_multiple %add3A_146, 8 : i32
      "tpu.region"() ({
        %run_scoped3A = tpu.sem_alloc : memref<!tpu.dma_semaphore, #tpu.memory_space<semaphore_mem>>
        %dma_start3A_148 = arith.constant 0 : i32
        %dma_start3A_149 = tpu.memref_slice %arg6[%multiple_of3A_147, %dma_start3A_148] : memref<40000x128xf32, #tpu.memory_space<hbm>> -> memref<632x128xf32, #tpu.memory_space<hbm>>
        %dma_start3A_150 = arith.constant 0 : i32
        %dma_start3A_151 = tpu.memref_slice %arg7[%mul3A_141, %dma_start3A_150] : memref<10000x128xf32, #tpu.memory_space<vmem_shared>> -> memref<632x128xf32, #tpu.memory_space<vmem_shared>>
        tpu.enqueue_dma source(%dma_start3A_151 : memref<632x128xf32, #tpu.memory_space<vmem_shared>>) target(%dma_start3A_149 : memref<632x128xf32, #tpu.memory_space<hbm>>) target_semaphore(%run_scoped3A : memref<!tpu.dma_semaphore, #tpu.memory_space<semaphore_mem>>)
        %dma_wait3A = arith.constant 0 : i32
        %dma_wait3A_152 = tpu.memref_slice %arg6[%multiple_of3A_147, %dma_wait3A] : memref<40000x128xf32, #tpu.memory_space<hbm>> -> memref<632x128xf32, #tpu.memory_space<hbm>>
        %dma_wait3A_153 = arith.constant 0 : i32
        %dma_wait3A_154 = tpu.memref_slice %arg7[%mul3A_141, %dma_wait3A_153] : memref<10000x128xf32, #tpu.memory_space<vmem_shared>> -> memref<632x128xf32, #tpu.memory_space<vmem_shared>>
        tpu.wait_dma2 semaphore(%run_scoped3A : memref<!tpu.dma_semaphore, #tpu.memory_space<semaphore_mem>>) src(%dma_wait3A_154 : memref<632x128xf32, #tpu.memory_space<vmem_shared>>) dst(%dma_wait3A_152 : memref<632x128xf32, #tpu.memory_space<hbm>>)
        tpu.yield
      }) : () -> ()
    } else {
    }
    %eq3A_59 = arith.constant 15 : i32
    %eq3A_60 = arith.cmpi eq, %arg1, %eq3A_59 : i32
    %convert_element_type3A_61 = arith.extui %eq3A_60 : i1 to i32
    %cond3A_62 = arith.constant 0 : i32
    %cond3A_63 = arith.cmpi ne, %convert_element_type3A_61, %cond3A_62 : i32
    scf.if %cond3A_63 {
      %mul3A_140 = arith.constant 10000 : i32
      %mul3A_141 = arith.muli %add3A_1, %mul3A_140 : i32
      %add3A_142 = arith.constant 9480 : i32
      %add3A_143 = arith.addi %mul3A_141, %add3A_142 : i32
      %multiple_of3A_144 = tpu.assume_multiple %add3A_143, 8 : i32
      "tpu.region"() ({
        %run_scoped3A = tpu.sem_alloc : memref<!tpu.dma_semaphore, #tpu.memory_space<semaphore_mem>>
        %dma_start3A_145 = arith.constant 0 : i32
        %dma_start3A_146 = tpu.memref_slice %arg6[%multiple_of3A_144, %dma_start3A_145] : memref<40000x128xf32, #tpu.memory_space<hbm>> -> memref<520x128xf32, #tpu.memory_space<hbm>>
        %dma_start3A_147 = arith.constant 9480 : i32
        %dma_start3A_148 = arith.constant 0 : i32
        %dma_start3A_149 = tpu.memref_slice %arg7[%dma_start3A_147, %dma_start3A_148] : memref<10000x128xf32, #tpu.memory_space<vmem_shared>> -> memref<520x128xf32, #tpu.memory_space<vmem_shared>>
        tpu.enqueue_dma source(%dma_start3A_149 : memref<520x128xf32, #tpu.memory_space<vmem_shared>>) target(%dma_start3A_146 : memref<520x128xf32, #tpu.memory_space<hbm>>) target_semaphore(%run_scoped3A : memref<!tpu.dma_semaphore, #tpu.memory_space<semaphore_mem>>)
        %dma_wait3A = arith.constant 0 : i32
        %dma_wait3A_150 = tpu.memref_slice %arg6[%multiple_of3A_144, %dma_wait3A] : memref<40000x128xf32, #tpu.memory_space<hbm>> -> memref<520x128xf32, #tpu.memory_space<hbm>>
        %dma_wait3A_151 = arith.constant 9480 : i32
        %dma_wait3A_152 = arith.constant 0 : i32
        %dma_wait3A_153 = tpu.memref_slice %arg7[%dma_wait3A_151, %dma_wait3A_152] : memref<10000x128xf32, #tpu.memory_space<vmem_shared>> -> memref<520x128xf32, #tpu.memory_space<vmem_shared>>
        tpu.wait_dma2 semaphore(%run_scoped3A : memref<!tpu.dma_semaphore, #tpu.memory_space<semaphore_mem>>) src(%dma_wait3A_153 : memref<520x128xf32, #tpu.memory_space<vmem_shared>>) dst(%dma_wait3A_150 : memref<520x128xf32, #tpu.memory_space<hbm>>)
        tpu.yield
      }) : () -> ()
    } else {
    }
    %barrier3A_64 = arith.constant 0 : index
    tpu.barrier barrier_id(%barrier3A_64)
    %mul3A_65 = arith.constant 2 : i32
    %mul3A_66 = arith.muli %mul3A_65, %arg0 : i32
    %add3A_67 = arith.constant 1 : i32
    %add3A_68 = arith.addi %mul3A_66, %add3A_67 : i32
    %lt3A_69 = arith.constant 15 : i32
    %lt3A_70 = arith.cmpi slt, %arg1, %lt3A_69 : i32
    %convert_element_type3A_71 = arith.extui %lt3A_70 : i1 to i32
    %cond3A_72 = arith.constant 0 : i32
    %cond3A_73 = arith.cmpi ne, %convert_element_type3A_71, %cond3A_72 : i32
    scf.if %cond3A_73 {
      %mul3A_140 = arith.constant 632 : i32
      %mul3A_141 = arith.muli %arg1, %mul3A_140 : i32
      %mul3A_142 = arith.constant 632 : i32
      %mul3A_143 = arith.muli %arg1, %mul3A_142 : i32
      "tpu.region"() ({
        %run_scoped3A = tpu.sem_alloc : memref<!tpu.dma_semaphore, #tpu.memory_space<semaphore_mem>>
        %dma_start3A_144 = arith.constant 0 : i32
        %dma_start3A_145 = tpu.memref_slice %arg7[%mul3A_143, %dma_start3A_144] : memref<10000x128xf32, #tpu.memory_space<vmem_shared>> -> memref<632x128xf32, #tpu.memory_space<vmem_shared>>
        %dma_start3A_146 = arith.constant 0 : i32
        %dma_start3A_147 = arith.constant 0 : i32
        %dma_start3A_148 = tpu.memref_slice %arg5[%dma_start3A_146, %dma_start3A_147] : memref<632x128xf32, #tpu.memory_space<hbm>> -> memref<632x128xf32, #tpu.memory_space<hbm>>
        tpu.enqueue_dma source(%dma_start3A_148 : memref<632x128xf32, #tpu.memory_space<hbm>>) target(%dma_start3A_145 : memref<632x128xf32, #tpu.memory_space<vmem_shared>>) target_semaphore(%run_scoped3A : memref<!tpu.dma_semaphore, #tpu.memory_space<semaphore_mem>>)
        %dma_wait3A = arith.constant 0 : i32
        %dma_wait3A_149 = tpu.memref_slice %arg7[%mul3A_143, %dma_wait3A] : memref<10000x128xf32, #tpu.memory_space<vmem_shared>> -> memref<632x128xf32, #tpu.memory_space<vmem_shared>>
        %dma_wait3A_150 = arith.constant 0 : i32
        %dma_wait3A_151 = arith.constant 0 : i32
        %dma_wait3A_152 = tpu.memref_slice %arg5[%dma_wait3A_150, %dma_wait3A_151] : memref<632x128xf32, #tpu.memory_space<hbm>> -> memref<632x128xf32, #tpu.memory_space<hbm>>
        tpu.wait_dma2 semaphore(%run_scoped3A : memref<!tpu.dma_semaphore, #tpu.memory_space<semaphore_mem>>) src(%dma_wait3A_152 : memref<632x128xf32, #tpu.memory_space<hbm>>) dst(%dma_wait3A_149 : memref<632x128xf32, #tpu.memory_space<vmem_shared>>)
        tpu.yield
      }) : () -> ()
    } else {
    }
    %eq3A_74 = arith.constant 15 : i32
    %eq3A_75 = arith.cmpi eq, %arg1, %eq3A_74 : i32
    %convert_element_type3A_76 = arith.extui %eq3A_75 : i1 to i32
    %cond3A_77 = arith.constant 0 : i32
    %cond3A_78 = arith.cmpi ne, %convert_element_type3A_76, %cond3A_77 : i32
    scf.if %cond3A_78 {
      "tpu.region"() ({
        %run_scoped3A = tpu.sem_alloc : memref<!tpu.dma_semaphore, #tpu.memory_space<semaphore_mem>>
        %dma_start3A_140 = arith.constant 9480 : i32
        %dma_start3A_141 = arith.constant 0 : i32
        %dma_start3A_142 = tpu.memref_slice %arg7[%dma_start3A_140, %dma_start3A_141] : memref<10000x128xf32, #tpu.memory_space<vmem_shared>> -> memref<520x128xf32, #tpu.memory_space<vmem_shared>>
        %dma_start3A_143 = arith.constant 0 : i32
        %dma_start3A_144 = arith.constant 0 : i32
        %dma_start3A_145 = tpu.memref_slice %arg5[%dma_start3A_143, %dma_start3A_144] : memref<632x128xf32, #tpu.memory_space<hbm>> -> memref<520x128xf32, #tpu.memory_space<hbm>>
        tpu.enqueue_dma source(%dma_start3A_145 : memref<520x128xf32, #tpu.memory_space<hbm>>) target(%dma_start3A_142 : memref<520x128xf32, #tpu.memory_space<vmem_shared>>) target_semaphore(%run_scoped3A : memref<!tpu.dma_semaphore, #tpu.memory_space<semaphore_mem>>)
        %dma_wait3A = arith.constant 9480 : i32
        %dma_wait3A_146 = arith.constant 0 : i32
        %dma_wait3A_147 = tpu.memref_slice %arg7[%dma_wait3A, %dma_wait3A_146] : memref<10000x128xf32, #tpu.memory_space<vmem_shared>> -> memref<520x128xf32, #tpu.memory_space<vmem_shared>>
        %dma_wait3A_148 = arith.constant 0 : i32
        %dma_wait3A_149 = arith.constant 0 : i32
        %dma_wait3A_150 = tpu.memref_slice %arg5[%dma_wait3A_148, %dma_wait3A_149] : memref<632x128xf32, #tpu.memory_space<hbm>> -> memref<520x128xf32, #tpu.memory_space<hbm>>
        tpu.wait_dma2 semaphore(%run_scoped3A : memref<!tpu.dma_semaphore, #tpu.memory_space<semaphore_mem>>) src(%dma_wait3A_150 : memref<520x128xf32, #tpu.memory_space<hbm>>) dst(%dma_wait3A_147 : memref<520x128xf32, #tpu.memory_space<vmem_shared>>)
        tpu.yield
      }) : () -> ()
    } else {
    }
    %barrier3A_79 = arith.constant 0 : index
    tpu.barrier barrier_id(%barrier3A_79)
    %mul3A_80 = arith.constant 160000 : i32
    %mul3A_81 = arith.muli %arg0, %mul3A_80 : i32
    %mul3A_82 = arith.constant 10000 : i32
    %mul3A_83 = arith.muli %arg1, %mul3A_82 : i32
    %add3A_84 = arith.addi %mul3A_81, %mul3A_83 : i32
    %add3A_85 = arith.constant 0 : i32
    %add3A_86 = arith.addi %add3A_84, %add3A_85 : i32
    %multiple_of3A_87 = tpu.assume_multiple %add3A_86, 8 : i32
    %dma_start3A_88 = tpu.memref_slice %arg3[%multiple_of3A_87] : memref<320000xi32, #tpu.memory_space<hbm>> -> memref<80xi32, #tpu.memory_space<hbm>>
    %dma_start3A_89 = tpu.memref_slice %arg3[%multiple_of3A_87] : memref<320000xi32, #tpu.memory_space<hbm>> -> memref<80xi32, #tpu.memory_space<hbm>>
    tpu.enqueue_dma source(%dma_start3A_89 : memref<80xi32, #tpu.memory_space<hbm>>) target(%arg11 : memref<80xi32, #tpu.memory_space<vmem>>) target_semaphore(%arg20 : memref<!tpu.dma_semaphore, #tpu.memory_space<semaphore_mem>>)
    %mul3A_90 = arith.constant 160000 : i32
    %mul3A_91 = arith.muli %add3A_68, %mul3A_90 : i32
    %mul3A_92 = arith.constant 10000 : i32
    %mul3A_93 = arith.muli %arg1, %mul3A_92 : i32
    %add3A_94 = arith.addi %mul3A_91, %mul3A_93 : i32
    %add3A_95 = arith.constant 0 : i32
    %add3A_96 = arith.addi %add3A_94, %add3A_95 : i32
    %multiple_of3A_97 = tpu.assume_multiple %add3A_96, 8 : i32
    "tpu.region"() ({
      %run_scoped3A = tpu.sem_alloc : memref<!tpu.dma_semaphore, #tpu.memory_space<semaphore_mem>>
      %dma_start3A_140 = tpu.memref_slice %arg2[%multiple_of3A_97] : memref<640000xi32, #tpu.memory_space<hbm>> -> memref<80xi32, #tpu.memory_space<hbm>>
      %dma_start3A_141 = tpu.memref_slice %arg2[%multiple_of3A_97] : memref<640000xi32, #tpu.memory_space<hbm>> -> memref<80xi32, #tpu.memory_space<hbm>>
      tpu.enqueue_dma source(%dma_start3A_141 : memref<80xi32, #tpu.memory_space<hbm>>) target(%arg8 : memref<80xi32, #tpu.memory_space<vmem>>) target_semaphore(%run_scoped3A : memref<!tpu.dma_semaphore, #tpu.memory_space<semaphore_mem>>)
      %dma_wait3A = tpu.memref_slice %arg2[%multiple_of3A_97] : memref<640000xi32, #tpu.memory_space<hbm>> -> memref<80xi32, #tpu.memory_space<hbm>>
      %dma_wait3A_142 = tpu.memref_slice %arg2[%multiple_of3A_97] : memref<640000xi32, #tpu.memory_space<hbm>> -> memref<80xi32, #tpu.memory_space<hbm>>
      tpu.wait_dma2 semaphore(%run_scoped3A : memref<!tpu.dma_semaphore, #tpu.memory_space<semaphore_mem>>) src(%dma_wait3A_142 : memref<80xi32, #tpu.memory_space<hbm>>) dst(%arg8 : memref<80xi32, #tpu.memory_space<vmem>>)
      tpu.yield
    }) : () -> ()
    %dma_start3A_98 = arith.constant 0 : i32
    %dma_start3A_99 = arith.constant 0 : i32
    %dma_start3A_100 = tpu.memref_slice %arg4[%dma_start3A_98, %dma_start3A_99] : memref<40000x128xf32, #tpu.memory_space<hbm>> -> memref<40000x128xf32, #tpu.memory_space<hbm>>
    tpu.enqueue_indirect_dma source(%dma_start3A_100 : memref<40000x128xf32, #tpu.memory_space<hbm>>) target(%arg14 : memref<80x128xf32, #tpu.memory_space<vmem>>) offsets(%arg8 : memref<80xi32, #tpu.memory_space<vmem>>) semaphore(%arg17 : memref<!tpu.dma_semaphore, #tpu.memory_space<semaphore_mem>>)
    %mul3A_101 = arith.constant 160000 : i32
    %mul3A_102 = arith.muli %arg0, %mul3A_101 : i32
    %mul3A_103 = arith.constant 10000 : i32
    %mul3A_104 = arith.muli %arg1, %mul3A_103 : i32
    %add3A_105 = arith.addi %mul3A_102, %mul3A_104 : i32
    %add3A_106 = arith.constant 80 : i32
    %add3A_107 = arith.addi %add3A_105, %add3A_106 : i32
    %multiple_of3A_108 = tpu.assume_multiple %add3A_107, 8 : i32
    %dma_start3A_109 = tpu.memref_slice %arg3[%multiple_of3A_108] : memref<320000xi32, #tpu.memory_space<hbm>> -> memref<80xi32, #tpu.memory_space<hbm>>
    %dma_start3A_110 = tpu.memref_slice %arg3[%multiple_of3A_108] : memref<320000xi32, #tpu.memory_space<hbm>> -> memref<80xi32, #tpu.memory_space<hbm>>
    tpu.enqueue_dma source(%dma_start3A_110 : memref<80xi32, #tpu.memory_space<hbm>>) target(%arg12 : memref<80xi32, #tpu.memory_space<vmem>>) target_semaphore(%arg21 : memref<!tpu.dma_semaphore, #tpu.memory_space<semaphore_mem>>)
    %mul3A_111 = arith.constant 160000 : i32
    %mul3A_112 = arith.muli %add3A_68, %mul3A_111 : i32
    %mul3A_113 = arith.constant 10000 : i32
    %mul3A_114 = arith.muli %arg1, %mul3A_113 : i32
    %add3A_115 = arith.addi %mul3A_112, %mul3A_114 : i32
    %add3A_116 = arith.constant 80 : i32
    %add3A_117 = arith.addi %add3A_115, %add3A_116 : i32
    %multiple_of3A_118 = tpu.assume_multiple %add3A_117, 8 : i32
    "tpu.region"() ({
      %run_scoped3A = tpu.sem_alloc : memref<!tpu.dma_semaphore, #tpu.memory_space<semaphore_mem>>
      %dma_start3A_140 = tpu.memref_slice %arg2[%multiple_of3A_118] : memref<640000xi32, #tpu.memory_space<hbm>> -> memref<80xi32, #tpu.memory_space<hbm>>
      %dma_start3A_141 = tpu.memref_slice %arg2[%multiple_of3A_118] : memref<640000xi32, #tpu.memory_space<hbm>> -> memref<80xi32, #tpu.memory_space<hbm>>
      tpu.enqueue_dma source(%dma_start3A_141 : memref<80xi32, #tpu.memory_space<hbm>>) target(%arg9 : memref<80xi32, #tpu.memory_space<vmem>>) target_semaphore(%run_scoped3A : memref<!tpu.dma_semaphore, #tpu.memory_space<semaphore_mem>>)
      %dma_wait3A = tpu.memref_slice %arg2[%multiple_of3A_118] : memref<640000xi32, #tpu.memory_space<hbm>> -> memref<80xi32, #tpu.memory_space<hbm>>
      %dma_wait3A_142 = tpu.memref_slice %arg2[%multiple_of3A_118] : memref<640000xi32, #tpu.memory_space<hbm>> -> memref<80xi32, #tpu.memory_space<hbm>>
      tpu.wait_dma2 semaphore(%run_scoped3A : memref<!tpu.dma_semaphore, #tpu.memory_space<semaphore_mem>>) src(%dma_wait3A_142 : memref<80xi32, #tpu.memory_space<hbm>>) dst(%arg9 : memref<80xi32, #tpu.memory_space<vmem>>)
      tpu.yield
    }) : () -> ()
    %dma_start3A_119 = arith.constant 0 : i32
    %dma_start3A_120 = arith.constant 0 : i32
    %dma_start3A_121 = tpu.memref_slice %arg4[%dma_start3A_119, %dma_start3A_120] : memref<40000x128xf32, #tpu.memory_space<hbm>> -> memref<40000x128xf32, #tpu.memory_space<hbm>>
    tpu.enqueue_indirect_dma source(%dma_start3A_121 : memref<40000x128xf32, #tpu.memory_space<hbm>>) target(%arg15 : memref<80x128xf32, #tpu.memory_space<vmem>>) offsets(%arg9 : memref<80xi32, #tpu.memory_space<vmem>>) semaphore(%arg18 : memref<!tpu.dma_semaphore, #tpu.memory_space<semaphore_mem>>)
    %scan3A_122 = arith.constant 0 : i32
    %scan3A_123 = arith.constant 0 : i32
    %scan3A_124 = arith.constant 42 : i32
    %scan3A_125 = arith.addi %scan3A_123, %scan3A_124 : i32
    %scan3A_126 = arith.constant 1 : i32
    scf.for %scan3A_140 = %scan3A_123 to %scan3A_125 step %scan3A_126  : i32 {
      %mul3A_141 = arith.constant 3 : i32
      %mul3A_142 = arith.muli %mul3A_141, %scan3A_140 : i32
      %add3A_143 = arith.constant 2 : i32
      %add3A_144 = arith.addi %mul3A_142, %add3A_143 : i32
      %lt3A_145 = arith.constant 125 : i32
      %lt3A_146 = arith.cmpi slt, %add3A_144, %lt3A_145 : i32
      %convert_element_type3A_147 = arith.extui %lt3A_146 : i1 to i32
      %cond3A_148 = arith.constant 0 : i32
      %cond3A_149 = arith.cmpi ne, %convert_element_type3A_147, %cond3A_148 : i32
      scf.if %cond3A_149 {
        %add3A_191 = arith.constant 2 : i32
        %add3A_192 = arith.addi %mul3A_142, %add3A_191 : i32
        %mul3A_193 = arith.constant 160000 : i32
        %mul3A_194 = arith.muli %arg0, %mul3A_193 : i32
        %mul3A_195 = arith.constant 10000 : i32
        %mul3A_196 = arith.muli %arg1, %mul3A_195 : i32
        %add3A_197 = arith.addi %mul3A_194, %mul3A_196 : i32
        %mul3A_198 = arith.constant 80 : i32
        %mul3A_199 = arith.muli %add3A_192, %mul3A_198 : i32
        %add3A_200 = arith.addi %add3A_197, %mul3A_199 : i32
        %multiple_of3A_201 = tpu.assume_multiple %add3A_200, 8 : i32
        %dma_start3A_202 = tpu.memref_slice %arg3[%multiple_of3A_201] : memref<320000xi32, #tpu.memory_space<hbm>> -> memref<80xi32, #tpu.memory_space<hbm>>
        %dma_start3A_203 = tpu.memref_slice %arg3[%multiple_of3A_201] : memref<320000xi32, #tpu.memory_space<hbm>> -> memref<80xi32, #tpu.memory_space<hbm>>
        tpu.enqueue_dma source(%dma_start3A_203 : memref<80xi32, #tpu.memory_space<hbm>>) target(%arg13 : memref<80xi32, #tpu.memory_space<vmem>>) target_semaphore(%arg22 : memref<!tpu.dma_semaphore, #tpu.memory_space<semaphore_mem>>)
        %mul3A_204 = arith.constant 160000 : i32
        %mul3A_205 = arith.muli %add3A_68, %mul3A_204 : i32
        %mul3A_206 = arith.constant 10000 : i32
        %mul3A_207 = arith.muli %arg1, %mul3A_206 : i32
        %add3A_208 = arith.addi %mul3A_205, %mul3A_207 : i32
        %mul3A_209 = arith.constant 80 : i32
        %mul3A_210 = arith.muli %add3A_192, %mul3A_209 : i32
        %add3A_211 = arith.addi %add3A_208, %mul3A_210 : i32
        %multiple_of3A_212 = tpu.assume_multiple %add3A_211, 8 : i32
        "tpu.region"() ({
          %run_scoped3A = tpu.sem_alloc : memref<!tpu.dma_semaphore, #tpu.memory_space<semaphore_mem>>
          %dma_start3A_216 = tpu.memref_slice %arg2[%multiple_of3A_212] : memref<640000xi32, #tpu.memory_space<hbm>> -> memref<80xi32, #tpu.memory_space<hbm>>
          %dma_start3A_217 = tpu.memref_slice %arg2[%multiple_of3A_212] : memref<640000xi32, #tpu.memory_space<hbm>> -> memref<80xi32, #tpu.memory_space<hbm>>
          tpu.enqueue_dma source(%dma_start3A_217 : memref<80xi32, #tpu.memory_space<hbm>>) target(%arg10 : memref<80xi32, #tpu.memory_space<vmem>>) target_semaphore(%run_scoped3A : memref<!tpu.dma_semaphore, #tpu.memory_space<semaphore_mem>>)
          %dma_wait3A_218 = tpu.memref_slice %arg2[%multiple_of3A_212] : memref<640000xi32, #tpu.memory_space<hbm>> -> memref<80xi32, #tpu.memory_space<hbm>>
          %dma_wait3A_219 = tpu.memref_slice %arg2[%multiple_of3A_212] : memref<640000xi32, #tpu.memory_space<hbm>> -> memref<80xi32, #tpu.memory_space<hbm>>
          tpu.wait_dma2 semaphore(%run_scoped3A : memref<!tpu.dma_semaphore, #tpu.memory_space<semaphore_mem>>) src(%dma_wait3A_219 : memref<80xi32, #tpu.memory_space<hbm>>) dst(%arg10 : memref<80xi32, #tpu.memory_space<vmem>>)
          tpu.yield
        }) : () -> ()
        %dma_start3A_213 = arith.constant 0 : i32
        %dma_start3A_214 = arith.constant 0 : i32
        %dma_start3A_215 = tpu.memref_slice %arg4[%dma_start3A_213, %dma_start3A_214] : memref<40000x128xf32, #tpu.memory_space<hbm>> -> memref<40000x128xf32, #tpu.memory_space<hbm>>
        tpu.enqueue_indirect_dma source(%dma_start3A_215 : memref<40000x128xf32, #tpu.memory_space<hbm>>) target(%arg16 : memref<80x128xf32, #tpu.memory_space<vmem>>) offsets(%arg10 : memref<80xi32, #tpu.memory_space<vmem>>) semaphore(%arg19 : memref<!tpu.dma_semaphore, #tpu.memory_space<semaphore_mem>>)
      } else {
      }
      %mul3A_150 = arith.constant 160000 : i32
      %mul3A_151 = arith.muli %arg0, %mul3A_150 : i32
      %mul3A_152 = arith.constant 10000 : i32
      %mul3A_153 = arith.muli %arg1, %mul3A_152 : i32
      %add3A_154 = arith.addi %mul3A_151, %mul3A_153 : i32
      %mul3A_155 = arith.constant 80 : i32
      %mul3A_156 = arith.muli %mul3A_142, %mul3A_155 : i32
      %add3A_157 = arith.addi %add3A_154, %mul3A_156 : i32
      %multiple_of3A_158 = tpu.assume_multiple %add3A_157, 8 : i32
      %dma_wait3A = tpu.memref_slice %arg3[%multiple_of3A_158] : memref<320000xi32, #tpu.memory_space<hbm>> -> memref<80xi32, #tpu.memory_space<hbm>>
      %dma_wait3A_159 = tpu.memref_slice %arg3[%multiple_of3A_158] : memref<320000xi32, #tpu.memory_space<hbm>> -> memref<80xi32, #tpu.memory_space<hbm>>
      tpu.wait_dma2 semaphore(%arg20 : memref<!tpu.dma_semaphore, #tpu.memory_space<semaphore_mem>>) src(%dma_wait3A_159 : memref<80xi32, #tpu.memory_space<hbm>>) dst(%arg11 : memref<80xi32, #tpu.memory_space<vmem>>)
      %dma_wait3A_160 = arith.constant 0 : i32
      %dma_wait3A_161 = arith.constant 0 : i32
      %dma_wait3A_162 = tpu.memref_slice %arg4[%dma_wait3A_160, %dma_wait3A_161] : memref<40000x128xf32, #tpu.memory_space<hbm>> -> memref<40000x128xf32, #tpu.memory_space<hbm>>
      tpu.wait_indirect_dma semaphore(%arg17 : memref<!tpu.dma_semaphore, #tpu.memory_space<semaphore_mem>>) src(%dma_wait3A_162 : memref<40000x128xf32, #tpu.memory_space<hbm>>) dst(%arg14 : memref<80x128xf32, #tpu.memory_space<vmem>>)
      "tpu.region"() ({
        %run_scoped3A = tpu.sem_alloc : memref<!tpu.dma_semaphore, #tpu.memory_space<semaphore_mem>>
        %dma_start3A_191 = arith.constant 0 : i32
        %dma_start3A_192 = arith.constant 0 : i32
        %dma_start3A_193 = tpu.memref_slice %arg7[%dma_start3A_191, %dma_start3A_192] : memref<10000x128xf32, #tpu.memory_space<vmem_shared>> -> memref<10000x128xf32, #tpu.memory_space<vmem_shared>>
        tpu.enqueue_indirect_dma source(%arg14 : memref<80x128xf32, #tpu.memory_space<vmem>>) target(%dma_start3A_193 : memref<10000x128xf32, #tpu.memory_space<vmem_shared>>) offsets(%arg11 : memref<80xi32, #tpu.memory_space<vmem>>) semaphore(%run_scoped3A : memref<!tpu.dma_semaphore, #tpu.memory_space<semaphore_mem>>) {add = true}
        %dma_wait3A_194 = arith.constant 0 : i32
        %dma_wait3A_195 = arith.constant 0 : i32
        %dma_wait3A_196 = tpu.memref_slice %arg7[%dma_wait3A_194, %dma_wait3A_195] : memref<10000x128xf32, #tpu.memory_space<vmem_shared>> -> memref<10000x128xf32, #tpu.memory_space<vmem_shared>>
        tpu.wait_indirect_dma semaphore(%run_scoped3A : memref<!tpu.dma_semaphore, #tpu.memory_space<semaphore_mem>>) src(%arg14 : memref<80x128xf32, #tpu.memory_space<vmem>>) dst(%dma_wait3A_196 : memref<10000x128xf32, #tpu.memory_space<vmem_shared>>)
        tpu.yield
      }) : () -> ()
      %add3A_163 = arith.constant 3 : i32
      %add3A_164 = arith.addi %mul3A_142, %add3A_163 : i32
      %lt3A_165 = arith.constant 125 : i32
      %lt3A_166 = arith.cmpi slt, %add3A_164, %lt3A_165 : i32
      %convert_element_type3A_167 = arith.extui %lt3A_166 : i1 to i32
      %cond3A_168 = arith.constant 0 : i32
      %cond3A_169 = arith.cmpi ne, %convert_element_type3A_167, %cond3A_168 : i32
      scf.if %cond3A_169 {
        %add3A_191 = arith.constant 3 : i32
        %add3A_192 = arith.addi %mul3A_142, %add3A_191 : i32
        %mul3A_193 = arith.constant 160000 : i32
        %mul3A_194 = arith.muli %arg0, %mul3A_193 : i32
        %mul3A_195 = arith.constant 10000 : i32
        %mul3A_196 = arith.muli %arg1, %mul3A_195 : i32
        %add3A_197 = arith.addi %mul3A_194, %mul3A_196 : i32
        %mul3A_198 = arith.constant 80 : i32
        %mul3A_199 = arith.muli %add3A_192, %mul3A_198 : i32
        %add3A_200 = arith.addi %add3A_197, %mul3A_199 : i32
        %multiple_of3A_201 = tpu.assume_multiple %add3A_200, 8 : i32
        %dma_start3A_202 = tpu.memref_slice %arg3[%multiple_of3A_201] : memref<320000xi32, #tpu.memory_space<hbm>> -> memref<80xi32, #tpu.memory_space<hbm>>
        %dma_start3A_203 = tpu.memref_slice %arg3[%multiple_of3A_201] : memref<320000xi32, #tpu.memory_space<hbm>> -> memref<80xi32, #tpu.memory_space<hbm>>
        tpu.enqueue_dma source(%dma_start3A_203 : memref<80xi32, #tpu.memory_space<hbm>>) target(%arg11 : memref<80xi32, #tpu.memory_space<vmem>>) target_semaphore(%arg20 : memref<!tpu.dma_semaphore, #tpu.memory_space<semaphore_mem>>)
        %mul3A_204 = arith.constant 160000 : i32
        %mul3A_205 = arith.muli %add3A_68, %mul3A_204 : i32
        %mul3A_206 = arith.constant 10000 : i32
        %mul3A_207 = arith.muli %arg1, %mul3A_206 : i32
        %add3A_208 = arith.addi %mul3A_205, %mul3A_207 : i32
        %mul3A_209 = arith.constant 80 : i32
        %mul3A_210 = arith.muli %add3A_192, %mul3A_209 : i32
        %add3A_211 = arith.addi %add3A_208, %mul3A_210 : i32
        %multiple_of3A_212 = tpu.assume_multiple %add3A_211, 8 : i32
        "tpu.region"() ({
          %run_scoped3A = tpu.sem_alloc : memref<!tpu.dma_semaphore, #tpu.memory_space<semaphore_mem>>
          %dma_start3A_216 = tpu.memref_slice %arg2[%multiple_of3A_212] : memref<640000xi32, #tpu.memory_space<hbm>> -> memref<80xi32, #tpu.memory_space<hbm>>
          %dma_start3A_217 = tpu.memref_slice %arg2[%multiple_of3A_212] : memref<640000xi32, #tpu.memory_space<hbm>> -> memref<80xi32, #tpu.memory_space<hbm>>
          tpu.enqueue_dma source(%dma_start3A_217 : memref<80xi32, #tpu.memory_space<hbm>>) target(%arg8 : memref<80xi32, #tpu.memory_space<vmem>>) target_semaphore(%run_scoped3A : memref<!tpu.dma_semaphore, #tpu.memory_space<semaphore_mem>>)
          %dma_wait3A_218 = tpu.memref_slice %arg2[%multiple_of3A_212] : memref<640000xi32, #tpu.memory_space<hbm>> -> memref<80xi32, #tpu.memory_space<hbm>>
          %dma_wait3A_219 = tpu.memref_slice %arg2[%multiple_of3A_212] : memref<640000xi32, #tpu.memory_space<hbm>> -> memref<80xi32, #tpu.memory_space<hbm>>
          tpu.wait_dma2 semaphore(%run_scoped3A : memref<!tpu.dma_semaphore, #tpu.memory_space<semaphore_mem>>) src(%dma_wait3A_219 : memref<80xi32, #tpu.memory_space<hbm>>) dst(%arg8 : memref<80xi32, #tpu.memory_space<vmem>>)
          tpu.yield
        }) : () -> ()
        %dma_start3A_213 = arith.constant 0 : i32
        %dma_start3A_214 = arith.constant 0 : i32
        %dma_start3A_215 = tpu.memref_slice %arg4[%dma_start3A_213, %dma_start3A_214] : memref<40000x128xf32, #tpu.memory_space<hbm>> -> memref<40000x128xf32, #tpu.memory_space<hbm>>
        tpu.enqueue_indirect_dma source(%dma_start3A_215 : memref<40000x128xf32, #tpu.memory_space<hbm>>) target(%arg14 : memref<80x128xf32, #tpu.memory_space<vmem>>) offsets(%arg8 : memref<80xi32, #tpu.memory_space<vmem>>) semaphore(%arg17 : memref<!tpu.dma_semaphore, #tpu.memory_space<semaphore_mem>>)
      } else {
      }
      %add3A_170 = arith.constant 1 : i32
      %add3A_171 = arith.addi %mul3A_142, %add3A_170 : i32
      %lt3A_172 = arith.constant 125 : i32
      %lt3A_173 = arith.cmpi slt, %add3A_171, %lt3A_172 : i32
      %convert_element_type3A_174 = arith.extui %lt3A_173 : i1 to i32
      %cond3A_175 = arith.constant 0 : i32
      %cond3A_176 = arith.cmpi ne, %convert_element_type3A_174, %cond3A_175 : i32
      scf.if %cond3A_176 {
        %add3A_191 = arith.constant 1 : i32
        %add3A_192 = arith.addi %mul3A_142, %add3A_191 : i32
        %mul3A_193 = arith.constant 160000 : i32
        %mul3A_194 = arith.muli %arg0, %mul3A_193 : i32
        %mul3A_195 = arith.constant 10000 : i32
        %mul3A_196 = arith.muli %arg1, %mul3A_195 : i32
        %add3A_197 = arith.addi %mul3A_194, %mul3A_196 : i32
        %mul3A_198 = arith.constant 80 : i32
        %mul3A_199 = arith.muli %add3A_192, %mul3A_198 : i32
        %add3A_200 = arith.addi %add3A_197, %mul3A_199 : i32
        %multiple_of3A_201 = tpu.assume_multiple %add3A_200, 8 : i32
        %dma_wait3A_202 = tpu.memref_slice %arg3[%multiple_of3A_201] : memref<320000xi32, #tpu.memory_space<hbm>> -> memref<80xi32, #tpu.memory_space<hbm>>
        %dma_wait3A_203 = tpu.memref_slice %arg3[%multiple_of3A_201] : memref<320000xi32, #tpu.memory_space<hbm>> -> memref<80xi32, #tpu.memory_space<hbm>>
        tpu.wait_dma2 semaphore(%arg21 : memref<!tpu.dma_semaphore, #tpu.memory_space<semaphore_mem>>) src(%dma_wait3A_203 : memref<80xi32, #tpu.memory_space<hbm>>) dst(%arg12 : memref<80xi32, #tpu.memory_space<vmem>>)
        %dma_wait3A_204 = arith.constant 0 : i32
        %dma_wait3A_205 = arith.constant 0 : i32
        %dma_wait3A_206 = tpu.memref_slice %arg4[%dma_wait3A_204, %dma_wait3A_205] : memref<40000x128xf32, #tpu.memory_space<hbm>> -> memref<40000x128xf32, #tpu.memory_space<hbm>>
        tpu.wait_indirect_dma semaphore(%arg18 : memref<!tpu.dma_semaphore, #tpu.memory_space<semaphore_mem>>) src(%dma_wait3A_206 : memref<40000x128xf32, #tpu.memory_space<hbm>>) dst(%arg15 : memref<80x128xf32, #tpu.memory_space<vmem>>)
        "tpu.region"() ({
          %run_scoped3A = tpu.sem_alloc : memref<!tpu.dma_semaphore, #tpu.memory_space<semaphore_mem>>
          %dma_start3A_207 = arith.constant 0 : i32
          %dma_start3A_208 = arith.constant 0 : i32
          %dma_start3A_209 = tpu.memref_slice %arg7[%dma_start3A_207, %dma_start3A_208] : memref<10000x128xf32, #tpu.memory_space<vmem_shared>> -> memref<10000x128xf32, #tpu.memory_space<vmem_shared>>
          tpu.enqueue_indirect_dma source(%arg15 : memref<80x128xf32, #tpu.memory_space<vmem>>) target(%dma_start3A_209 : memref<10000x128xf32, #tpu.memory_space<vmem_shared>>) offsets(%arg12 : memref<80xi32, #tpu.memory_space<vmem>>) semaphore(%run_scoped3A : memref<!tpu.dma_semaphore, #tpu.memory_space<semaphore_mem>>) {add = true}
          %dma_wait3A_210 = arith.constant 0 : i32
          %dma_wait3A_211 = arith.constant 0 : i32
          %dma_wait3A_212 = tpu.memref_slice %arg7[%dma_wait3A_210, %dma_wait3A_211] : memref<10000x128xf32, #tpu.memory_space<vmem_shared>> -> memref<10000x128xf32, #tpu.memory_space<vmem_shared>>
          tpu.wait_indirect_dma semaphore(%run_scoped3A : memref<!tpu.dma_semaphore, #tpu.memory_space<semaphore_mem>>) src(%arg15 : memref<80x128xf32, #tpu.memory_space<vmem>>) dst(%dma_wait3A_212 : memref<10000x128xf32, #tpu.memory_space<vmem_shared>>)
          tpu.yield
        }) : () -> ()
      } else {
      }
      %add3A_177 = arith.constant 4 : i32
      %add3A_178 = arith.addi %mul3A_142, %add3A_177 : i32
      %lt3A_179 = arith.constant 125 : i32
      %lt3A_180 = arith.cmpi slt, %add3A_178, %lt3A_179 : i32
      %convert_element_type3A_181 = arith.extui %lt3A_180 : i1 to i32
      %cond3A_182 = arith.constant 0 : i32
      %cond3A_183 = arith.cmpi ne, %convert_element_type3A_181, %cond3A_182 : i32
      scf.if %cond3A_183 {
        %add3A_191 = arith.constant 4 : i32
        %add3A_192 = arith.addi %mul3A_142, %add3A_191 : i32
        %mul3A_193 = arith.constant 160000 : i32
        %mul3A_194 = arith.muli %arg0, %mul3A_193 : i32
        %mul3A_195 = arith.constant 10000 : i32
        %mul3A_196 = arith.muli %arg1, %mul3A_195 : i32
        %add3A_197 = arith.addi %mul3A_194, %mul3A_196 : i32
        %mul3A_198 = arith.constant 80 : i32
        %mul3A_199 = arith.muli %add3A_192, %mul3A_198 : i32
        %add3A_200 = arith.addi %add3A_197, %mul3A_199 : i32
        %multiple_of3A_201 = tpu.assume_multiple %add3A_200, 8 : i32
        %dma_start3A_202 = tpu.memref_slice %arg3[%multiple_of3A_201] : memref<320000xi32, #tpu.memory_space<hbm>> -> memref<80xi32, #tpu.memory_space<hbm>>
        %dma_start3A_203 = tpu.memref_slice %arg3[%multiple_of3A_201] : memref<320000xi32, #tpu.memory_space<hbm>> -> memref<80xi32, #tpu.memory_space<hbm>>
        tpu.enqueue_dma source(%dma_start3A_203 : memref<80xi32, #tpu.memory_space<hbm>>) target(%arg12 : memref<80xi32, #tpu.memory_space<vmem>>) target_semaphore(%arg21 : memref<!tpu.dma_semaphore, #tpu.memory_space<semaphore_mem>>)
        %mul3A_204 = arith.constant 160000 : i32
        %mul3A_205 = arith.muli %add3A_68, %mul3A_204 : i32
        %mul3A_206 = arith.constant 10000 : i32
        %mul3A_207 = arith.muli %arg1, %mul3A_206 : i32
        %add3A_208 = arith.addi %mul3A_205, %mul3A_207 : i32
        %mul3A_209 = arith.constant 80 : i32
        %mul3A_210 = arith.muli %add3A_192, %mul3A_209 : i32
        %add3A_211 = arith.addi %add3A_208, %mul3A_210 : i32
        %multiple_of3A_212 = tpu.assume_multiple %add3A_211, 8 : i32
        "tpu.region"() ({
          %run_scoped3A = tpu.sem_alloc : memref<!tpu.dma_semaphore, #tpu.memory_space<semaphore_mem>>
          %dma_start3A_216 = tpu.memref_slice %arg2[%multiple_of3A_212] : memref<640000xi32, #tpu.memory_space<hbm>> -> memref<80xi32, #tpu.memory_space<hbm>>
          %dma_start3A_217 = tpu.memref_slice %arg2[%multiple_of3A_212] : memref<640000xi32, #tpu.memory_space<hbm>> -> memref<80xi32, #tpu.memory_space<hbm>>
          tpu.enqueue_dma source(%dma_start3A_217 : memref<80xi32, #tpu.memory_space<hbm>>) target(%arg9 : memref<80xi32, #tpu.memory_space<vmem>>) target_semaphore(%run_scoped3A : memref<!tpu.dma_semaphore, #tpu.memory_space<semaphore_mem>>)
          %dma_wait3A_218 = tpu.memref_slice %arg2[%multiple_of3A_212] : memref<640000xi32, #tpu.memory_space<hbm>> -> memref<80xi32, #tpu.memory_space<hbm>>
          %dma_wait3A_219 = tpu.memref_slice %arg2[%multiple_of3A_212] : memref<640000xi32, #tpu.memory_space<hbm>> -> memref<80xi32, #tpu.memory_space<hbm>>
          tpu.wait_dma2 semaphore(%run_scoped3A : memref<!tpu.dma_semaphore, #tpu.memory_space<semaphore_mem>>) src(%dma_wait3A_219 : memref<80xi32, #tpu.memory_space<hbm>>) dst(%arg9 : memref<80xi32, #tpu.memory_space<vmem>>)
          tpu.yield
        }) : () -> ()
        %dma_start3A_213 = arith.constant 0 : i32
        %dma_start3A_214 = arith.constant 0 : i32
        %dma_start3A_215 = tpu.memref_slice %arg4[%dma_start3A_213, %dma_start3A_214] : memref<40000x128xf32, #tpu.memory_space<hbm>> -> memref<40000x128xf32, #tpu.memory_space<hbm>>
        tpu.enqueue_indirect_dma source(%dma_start3A_215 : memref<40000x128xf32, #tpu.memory_space<hbm>>) target(%arg15 : memref<80x128xf32, #tpu.memory_space<vmem>>) offsets(%arg9 : memref<80xi32, #tpu.memory_space<vmem>>) semaphore(%arg18 : memref<!tpu.dma_semaphore, #tpu.memory_space<semaphore_mem>>)
      } else {
      }
      %add3A_184 = arith.constant 2 : i32
      %add3A_185 = arith.addi %mul3A_142, %add3A_184 : i32
      %lt3A_186 = arith.constant 125 : i32
      %lt3A_187 = arith.cmpi slt, %add3A_185, %lt3A_186 : i32
      %convert_element_type3A_188 = arith.extui %lt3A_187 : i1 to i32
      %cond3A_189 = arith.constant 0 : i32
      %cond3A_190 = arith.cmpi ne, %convert_element_type3A_188, %cond3A_189 : i32
      scf.if %cond3A_190 {
        %add3A_191 = arith.constant 2 : i32
        %add3A_192 = arith.addi %mul3A_142, %add3A_191 : i32
        %mul3A_193 = arith.constant 160000 : i32
        %mul3A_194 = arith.muli %arg0, %mul3A_193 : i32
        %mul3A_195 = arith.constant 10000 : i32
        %mul3A_196 = arith.muli %arg1, %mul3A_195 : i32
        %add3A_197 = arith.addi %mul3A_194, %mul3A_196 : i32
        %mul3A_198 = arith.constant 80 : i32
        %mul3A_199 = arith.muli %add3A_192, %mul3A_198 : i32
        %add3A_200 = arith.addi %add3A_197, %mul3A_199 : i32
        %multiple_of3A_201 = tpu.assume_multiple %add3A_200, 8 : i32
        %dma_wait3A_202 = tpu.memref_slice %arg3[%multiple_of3A_201] : memref<320000xi32, #tpu.memory_space<hbm>> -> memref<80xi32, #tpu.memory_space<hbm>>
        %dma_wait3A_203 = tpu.memref_slice %arg3[%multiple_of3A_201] : memref<320000xi32, #tpu.memory_space<hbm>> -> memref<80xi32, #tpu.memory_space<hbm>>
        tpu.wait_dma2 semaphore(%arg22 : memref<!tpu.dma_semaphore, #tpu.memory_space<semaphore_mem>>) src(%dma_wait3A_203 : memref<80xi32, #tpu.memory_space<hbm>>) dst(%arg13 : memref<80xi32, #tpu.memory_space<vmem>>)
        %dma_wait3A_204 = arith.constant 0 : i32
        %dma_wait3A_205 = arith.constant 0 : i32
        %dma_wait3A_206 = tpu.memref_slice %arg4[%dma_wait3A_204, %dma_wait3A_205] : memref<40000x128xf32, #tpu.memory_space<hbm>> -> memref<40000x128xf32, #tpu.memory_space<hbm>>
        tpu.wait_indirect_dma semaphore(%arg19 : memref<!tpu.dma_semaphore, #tpu.memory_space<semaphore_mem>>) src(%dma_wait3A_206 : memref<40000x128xf32, #tpu.memory_space<hbm>>) dst(%arg16 : memref<80x128xf32, #tpu.memory_space<vmem>>)
        "tpu.region"() ({
          %run_scoped3A = tpu.sem_alloc : memref<!tpu.dma_semaphore, #tpu.memory_space<semaphore_mem>>
          %dma_start3A_207 = arith.constant 0 : i32
          %dma_start3A_208 = arith.constant 0 : i32
          %dma_start3A_209 = tpu.memref_slice %arg7[%dma_start3A_207, %dma_start3A_208] : memref<10000x128xf32, #tpu.memory_space<vmem_shared>> -> memref<10000x128xf32, #tpu.memory_space<vmem_shared>>
          tpu.enqueue_indirect_dma source(%arg16 : memref<80x128xf32, #tpu.memory_space<vmem>>) target(%dma_start3A_209 : memref<10000x128xf32, #tpu.memory_space<vmem_shared>>) offsets(%arg13 : memref<80xi32, #tpu.memory_space<vmem>>) semaphore(%run_scoped3A : memref<!tpu.dma_semaphore, #tpu.memory_space<semaphore_mem>>) {add = true}
          %dma_wait3A_210 = arith.constant 0 : i32
          %dma_wait3A_211 = arith.constant 0 : i32
          %dma_wait3A_212 = tpu.memref_slice %arg7[%dma_wait3A_210, %dma_wait3A_211] : memref<10000x128xf32, #tpu.memory_space<vmem_shared>> -> memref<10000x128xf32, #tpu.memory_space<vmem_shared>>
          tpu.wait_indirect_dma semaphore(%run_scoped3A : memref<!tpu.dma_semaphore, #tpu.memory_space<semaphore_mem>>) src(%arg16 : memref<80x128xf32, #tpu.memory_space<vmem>>) dst(%dma_wait3A_212 : memref<10000x128xf32, #tpu.memory_space<vmem_shared>>)
          tpu.yield
        }) : () -> ()
      } else {
      }
    }
    %scan3A_127 = arith.constant 42 : i32
    %barrier3A_128 = arith.constant 0 : index
    tpu.barrier barrier_id(%barrier3A_128)
    %lt3A_129 = arith.constant 15 : i32
    %lt3A_130 = arith.cmpi slt, %arg1, %lt3A_129 : i32
    %convert_element_type3A_131 = arith.extui %lt3A_130 : i1 to i32
    %cond3A_132 = arith.constant 0 : i32
    %cond3A_133 = arith.cmpi ne, %convert_element_type3A_131, %cond3A_132 : i32
    scf.if %cond3A_133 {
      %mul3A_140 = arith.constant 632 : i32
      %mul3A_141 = arith.muli %arg1, %mul3A_140 : i32
      %mul3A_142 = arith.constant 632 : i32
      %mul3A_143 = arith.muli %arg1, %mul3A_142 : i32
      %mul3A_144 = arith.constant 10000 : i32
      %mul3A_145 = arith.muli %add3A_68, %mul3A_144 : i32
      %add3A_146 = arith.addi %mul3A_145, %mul3A_143 : i32
      %multiple_of3A_147 = tpu.assume_multiple %add3A_146, 8 : i32
      "tpu.region"() ({
        %run_scoped3A = tpu.sem_alloc : memref<!tpu.dma_semaphore, #tpu.memory_space<semaphore_mem>>
        %dma_start3A_148 = arith.constant 0 : i32
        %dma_start3A_149 = tpu.memref_slice %arg6[%multiple_of3A_147, %dma_start3A_148] : memref<40000x128xf32, #tpu.memory_space<hbm>> -> memref<632x128xf32, #tpu.memory_space<hbm>>
        %dma_start3A_150 = arith.constant 0 : i32
        %dma_start3A_151 = tpu.memref_slice %arg7[%mul3A_141, %dma_start3A_150] : memref<10000x128xf32, #tpu.memory_space<vmem_shared>> -> memref<632x128xf32, #tpu.memory_space<vmem_shared>>
        tpu.enqueue_dma source(%dma_start3A_151 : memref<632x128xf32, #tpu.memory_space<vmem_shared>>) target(%dma_start3A_149 : memref<632x128xf32, #tpu.memory_space<hbm>>) target_semaphore(%run_scoped3A : memref<!tpu.dma_semaphore, #tpu.memory_space<semaphore_mem>>)
        %dma_wait3A = arith.constant 0 : i32
        %dma_wait3A_152 = tpu.memref_slice %arg6[%multiple_of3A_147, %dma_wait3A] : memref<40000x128xf32, #tpu.memory_space<hbm>> -> memref<632x128xf32, #tpu.memory_space<hbm>>
        %dma_wait3A_153 = arith.constant 0 : i32
        %dma_wait3A_154 = tpu.memref_slice %arg7[%mul3A_141, %dma_wait3A_153] : memref<10000x128xf32, #tpu.memory_space<vmem_shared>> -> memref<632x128xf32, #tpu.memory_space<vmem_shared>>
        tpu.wait_dma2 semaphore(%run_scoped3A : memref<!tpu.dma_semaphore, #tpu.memory_space<semaphore_mem>>) src(%dma_wait3A_154 : memref<632x128xf32, #tpu.memory_space<vmem_shared>>) dst(%dma_wait3A_152 : memref<632x128xf32, #tpu.memory_space<hbm>>)
        tpu.yield
      }) : () -> ()
    } else {
    }
    %eq3A_134 = arith.constant 15 : i32
    %eq3A_135 = arith.cmpi eq, %arg1, %eq3A_134 : i32
    %convert_element_type3A_136 = arith.extui %eq3A_135 : i1 to i32
    %cond3A_137 = arith.constant 0 : i32
    %cond3A_138 = arith.cmpi ne, %convert_element_type3A_136, %cond3A_137 : i32
    scf.if %cond3A_138 {
      %mul3A_140 = arith.constant 10000 : i32
      %mul3A_141 = arith.muli %add3A_68, %mul3A_140 : i32
      %add3A_142 = arith.constant 9480 : i32
      %add3A_143 = arith.addi %mul3A_141, %add3A_142 : i32
      %multiple_of3A_144 = tpu.assume_multiple %add3A_143, 8 : i32
      "tpu.region"() ({
        %run_scoped3A = tpu.sem_alloc : memref<!tpu.dma_semaphore, #tpu.memory_space<semaphore_mem>>
        %dma_start3A_145 = arith.constant 0 : i32
        %dma_start3A_146 = tpu.memref_slice %arg6[%multiple_of3A_144, %dma_start3A_145] : memref<40000x128xf32, #tpu.memory_space<hbm>> -> memref<520x128xf32, #tpu.memory_space<hbm>>
        %dma_start3A_147 = arith.constant 9480 : i32
        %dma_start3A_148 = arith.constant 0 : i32
        %dma_start3A_149 = tpu.memref_slice %arg7[%dma_start3A_147, %dma_start3A_148] : memref<10000x128xf32, #tpu.memory_space<vmem_shared>> -> memref<520x128xf32, #tpu.memory_space<vmem_shared>>
        tpu.enqueue_dma source(%dma_start3A_149 : memref<520x128xf32, #tpu.memory_space<vmem_shared>>) target(%dma_start3A_146 : memref<520x128xf32, #tpu.memory_space<hbm>>) target_semaphore(%run_scoped3A : memref<!tpu.dma_semaphore, #tpu.memory_space<semaphore_mem>>)
        %dma_wait3A = arith.constant 0 : i32
        %dma_wait3A_150 = tpu.memref_slice %arg6[%multiple_of3A_144, %dma_wait3A] : memref<40000x128xf32, #tpu.memory_space<hbm>> -> memref<520x128xf32, #tpu.memory_space<hbm>>
        %dma_wait3A_151 = arith.constant 9480 : i32
        %dma_wait3A_152 = arith.constant 0 : i32
        %dma_wait3A_153 = tpu.memref_slice %arg7[%dma_wait3A_151, %dma_wait3A_152] : memref<10000x128xf32, #tpu.memory_space<vmem_shared>> -> memref<520x128xf32, #tpu.memory_space<vmem_shared>>
        tpu.wait_dma2 semaphore(%run_scoped3A : memref<!tpu.dma_semaphore, #tpu.memory_space<semaphore_mem>>) src(%dma_wait3A_153 : memref<520x128xf32, #tpu.memory_space<vmem_shared>>) dst(%dma_wait3A_150 : memref<520x128xf32, #tpu.memory_space<hbm>>)
        tpu.yield
      }) : () -> ()
    } else {
    }
    %barrier3A_139 = arith.constant 0 : index
    tpu.barrier barrier_id(%barrier3A_139)
    return
  }
}

#map = affine_map<(d0, d1) -> (0)>
#map1 = affine_map<(d0, d1) -> (0, 0)>
module attributes {stable_mosaic.version = 14 : i64} {
  func.func @_sc_e_body(%arg0: i32, %arg1: i32, %arg2: memref<320000xi32, #tpu.memory_space<hbm>>, %arg3: memref<320000x128xf32, #tpu.memory_space<hbm>>, %arg4: memref<632x128xf32, #tpu.memory_space<hbm>>, %arg5: memref<20000x128xf32, #tpu.memory_space<hbm>>, %arg6: memref<10000x128xf32, #tpu.memory_space<vmem_shared>>, %arg7: memref<80xi32, #tpu.memory_space<vmem>>, %arg8: memref<80xi32, #tpu.memory_space<vmem>>, %arg9: memref<80x128xf32, #tpu.memory_space<vmem>>, %arg10: memref<80x128xf32, #tpu.memory_space<vmem>>, %arg11: memref<!tpu.dma_semaphore, #tpu.memory_space<semaphore_mem>>, %arg12: memref<!tpu.dma_semaphore, #tpu.memory_space<semaphore_mem>>, %arg13: memref<!tpu.dma_semaphore, #tpu.memory_space<semaphore_mem>>, %arg14: memref<!tpu.dma_semaphore, #tpu.memory_space<semaphore_mem>>) attributes {dimension_semantics = [#tpu.dimension_semantics<core_parallel>, #tpu.dimension_semantics<subcore_parallel>], iteration_bounds = array<i64: 2, 16>, scalar_prefetch = 0 : i64, scratch_operands = 9 : i64, tpu.core_type = #tpu.core_type<sc_vector_subcore>, window_params = [{transform_indices = #map}, {transform_indices = #map1}, {transform_indices = #map1}, {transform_indices = #map1}]} {
    %lt3A = arith.constant 15 : i32
    %lt3A_0 = arith.cmpi slt, %arg1, %lt3A : i32
    %convert_element_type3A = arith.extui %lt3A_0 : i1 to i32
    %cond3A = arith.constant 0 : i32
    %cond3A_1 = arith.cmpi ne, %convert_element_type3A, %cond3A : i32
    scf.if %cond3A_1 {
      %mul3A_32 = arith.constant 632 : i32
      %mul3A_33 = arith.muli %arg1, %mul3A_32 : i32
      %mul3A_34 = arith.constant 632 : i32
      %mul3A_35 = arith.muli %arg1, %mul3A_34 : i32
      "tpu.region"() ({
        %run_scoped3A = tpu.sem_alloc : memref<!tpu.dma_semaphore, #tpu.memory_space<semaphore_mem>>
        %dma_start3A_36 = arith.constant 0 : i32
        %dma_start3A_37 = tpu.memref_slice %arg6[%mul3A_35, %dma_start3A_36] : memref<10000x128xf32, #tpu.memory_space<vmem_shared>> -> memref<632x128xf32, #tpu.memory_space<vmem_shared>>
        %dma_start3A_38 = arith.constant 0 : i32
        %dma_start3A_39 = arith.constant 0 : i32
        %dma_start3A_40 = tpu.memref_slice %arg4[%dma_start3A_38, %dma_start3A_39] : memref<632x128xf32, #tpu.memory_space<hbm>> -> memref<632x128xf32, #tpu.memory_space<hbm>>
        tpu.enqueue_dma source(%dma_start3A_40 : memref<632x128xf32, #tpu.memory_space<hbm>>) target(%dma_start3A_37 : memref<632x128xf32, #tpu.memory_space<vmem_shared>>) target_semaphore(%run_scoped3A : memref<!tpu.dma_semaphore, #tpu.memory_space<semaphore_mem>>)
        %dma_wait3A = arith.constant 0 : i32
        %dma_wait3A_41 = tpu.memref_slice %arg6[%mul3A_35, %dma_wait3A] : memref<10000x128xf32, #tpu.memory_space<vmem_shared>> -> memref<632x128xf32, #tpu.memory_space<vmem_shared>>
        %dma_wait3A_42 = arith.constant 0 : i32
        %dma_wait3A_43 = arith.constant 0 : i32
        %dma_wait3A_44 = tpu.memref_slice %arg4[%dma_wait3A_42, %dma_wait3A_43] : memref<632x128xf32, #tpu.memory_space<hbm>> -> memref<632x128xf32, #tpu.memory_space<hbm>>
        tpu.wait_dma2 semaphore(%run_scoped3A : memref<!tpu.dma_semaphore, #tpu.memory_space<semaphore_mem>>) src(%dma_wait3A_44 : memref<632x128xf32, #tpu.memory_space<hbm>>) dst(%dma_wait3A_41 : memref<632x128xf32, #tpu.memory_space<vmem_shared>>)
        tpu.yield
      }) : () -> ()
    } else {
    }
    %eq3A = arith.constant 15 : i32
    %eq3A_2 = arith.cmpi eq, %arg1, %eq3A : i32
    %convert_element_type3A_3 = arith.extui %eq3A_2 : i1 to i32
    %cond3A_4 = arith.constant 0 : i32
    %cond3A_5 = arith.cmpi ne, %convert_element_type3A_3, %cond3A_4 : i32
    scf.if %cond3A_5 {
      "tpu.region"() ({
        %run_scoped3A = tpu.sem_alloc : memref<!tpu.dma_semaphore, #tpu.memory_space<semaphore_mem>>
        %dma_start3A_32 = arith.constant 9480 : i32
        %dma_start3A_33 = arith.constant 0 : i32
        %dma_start3A_34 = tpu.memref_slice %arg6[%dma_start3A_32, %dma_start3A_33] : memref<10000x128xf32, #tpu.memory_space<vmem_shared>> -> memref<520x128xf32, #tpu.memory_space<vmem_shared>>
        %dma_start3A_35 = arith.constant 0 : i32
        %dma_start3A_36 = arith.constant 0 : i32
        %dma_start3A_37 = tpu.memref_slice %arg4[%dma_start3A_35, %dma_start3A_36] : memref<632x128xf32, #tpu.memory_space<hbm>> -> memref<520x128xf32, #tpu.memory_space<hbm>>
        tpu.enqueue_dma source(%dma_start3A_37 : memref<520x128xf32, #tpu.memory_space<hbm>>) target(%dma_start3A_34 : memref<520x128xf32, #tpu.memory_space<vmem_shared>>) target_semaphore(%run_scoped3A : memref<!tpu.dma_semaphore, #tpu.memory_space<semaphore_mem>>)
        %dma_wait3A = arith.constant 9480 : i32
        %dma_wait3A_38 = arith.constant 0 : i32
        %dma_wait3A_39 = tpu.memref_slice %arg6[%dma_wait3A, %dma_wait3A_38] : memref<10000x128xf32, #tpu.memory_space<vmem_shared>> -> memref<520x128xf32, #tpu.memory_space<vmem_shared>>
        %dma_wait3A_40 = arith.constant 0 : i32
        %dma_wait3A_41 = arith.constant 0 : i32
        %dma_wait3A_42 = tpu.memref_slice %arg4[%dma_wait3A_40, %dma_wait3A_41] : memref<632x128xf32, #tpu.memory_space<hbm>> -> memref<520x128xf32, #tpu.memory_space<hbm>>
        tpu.wait_dma2 semaphore(%run_scoped3A : memref<!tpu.dma_semaphore, #tpu.memory_space<semaphore_mem>>) src(%dma_wait3A_42 : memref<520x128xf32, #tpu.memory_space<hbm>>) dst(%dma_wait3A_39 : memref<520x128xf32, #tpu.memory_space<vmem_shared>>)
        tpu.yield
      }) : () -> ()
    } else {
    }
    %barrier3A = arith.constant 0 : index
    tpu.barrier barrier_id(%barrier3A)
    %mul3A = arith.constant 160000 : i32
    %mul3A_6 = arith.muli %arg0, %mul3A : i32
    %mul3A_7 = arith.constant 10000 : i32
    %mul3A_8 = arith.muli %arg1, %mul3A_7 : i32
    %add3A = arith.addi %mul3A_6, %mul3A_8 : i32
    %add3A_9 = arith.constant 0 : i32
    %add3A_10 = arith.addi %add3A, %add3A_9 : i32
    %multiple_of3A = tpu.assume_multiple %add3A_10, 8 : i32
    %dma_start3A = tpu.memref_slice %arg2[%multiple_of3A] : memref<320000xi32, #tpu.memory_space<hbm>> -> memref<80xi32, #tpu.memory_space<hbm>>
    %dma_start3A_11 = tpu.memref_slice %arg2[%multiple_of3A] : memref<320000xi32, #tpu.memory_space<hbm>> -> memref<80xi32, #tpu.memory_space<hbm>>
    tpu.enqueue_dma source(%dma_start3A_11 : memref<80xi32, #tpu.memory_space<hbm>>) target(%arg7 : memref<80xi32, #tpu.memory_space<vmem>>) target_semaphore(%arg13 : memref<!tpu.dma_semaphore, #tpu.memory_space<semaphore_mem>>)
    %dma_start3A_12 = arith.constant 0 : i32
    %dma_start3A_13 = tpu.memref_slice %arg3[%multiple_of3A, %dma_start3A_12] : memref<320000x128xf32, #tpu.memory_space<hbm>> -> memref<80x128xf32, #tpu.memory_space<hbm>>
    %dma_start3A_14 = arith.constant 0 : i32
    %dma_start3A_15 = tpu.memref_slice %arg3[%multiple_of3A, %dma_start3A_14] : memref<320000x128xf32, #tpu.memory_space<hbm>> -> memref<80x128xf32, #tpu.memory_space<hbm>>
    tpu.enqueue_dma source(%dma_start3A_15 : memref<80x128xf32, #tpu.memory_space<hbm>>) target(%arg9 : memref<80x128xf32, #tpu.memory_space<vmem>>) target_semaphore(%arg11 : memref<!tpu.dma_semaphore, #tpu.memory_space<semaphore_mem>>)
    %scan3A = arith.constant 0 : i32
    %scan3A_16 = arith.constant 0 : i32
    %scan3A_17 = arith.constant 63 : i32
    %scan3A_18 = arith.addi %scan3A_16, %scan3A_17 : i32
    %scan3A_19 = arith.constant 1 : i32
    scf.for %scan3A_32 = %scan3A_16 to %scan3A_18 step %scan3A_19  : i32 {
      %mul3A_33 = arith.constant 2 : i32
      %mul3A_34 = arith.muli %mul3A_33, %scan3A_32 : i32
      %add3A_35 = arith.constant 1 : i32
      %add3A_36 = arith.addi %mul3A_34, %add3A_35 : i32
      %lt3A_37 = arith.constant 125 : i32
      %lt3A_38 = arith.cmpi slt, %add3A_36, %lt3A_37 : i32
      %convert_element_type3A_39 = arith.extui %lt3A_38 : i1 to i32
      %cond3A_40 = arith.constant 0 : i32
      %cond3A_41 = arith.cmpi ne, %convert_element_type3A_39, %cond3A_40 : i32
      scf.if %cond3A_41 {
        %add3A_70 = arith.constant 1 : i32
        %add3A_71 = arith.addi %mul3A_34, %add3A_70 : i32
        %mul3A_72 = arith.constant 160000 : i32
        %mul3A_73 = arith.muli %arg0, %mul3A_72 : i32
        %mul3A_74 = arith.constant 10000 : i32
        %mul3A_75 = arith.muli %arg1, %mul3A_74 : i32
        %add3A_76 = arith.addi %mul3A_73, %mul3A_75 : i32
        %mul3A_77 = arith.constant 80 : i32
        %mul3A_78 = arith.muli %add3A_71, %mul3A_77 : i32
        %add3A_79 = arith.addi %add3A_76, %mul3A_78 : i32
        %multiple_of3A_80 = tpu.assume_multiple %add3A_79, 8 : i32
        %dma_start3A_81 = tpu.memref_slice %arg2[%multiple_of3A_80] : memref<320000xi32, #tpu.memory_space<hbm>> -> memref<80xi32, #tpu.memory_space<hbm>>
        %dma_start3A_82 = tpu.memref_slice %arg2[%multiple_of3A_80] : memref<320000xi32, #tpu.memory_space<hbm>> -> memref<80xi32, #tpu.memory_space<hbm>>
        tpu.enqueue_dma source(%dma_start3A_82 : memref<80xi32, #tpu.memory_space<hbm>>) target(%arg8 : memref<80xi32, #tpu.memory_space<vmem>>) target_semaphore(%arg14 : memref<!tpu.dma_semaphore, #tpu.memory_space<semaphore_mem>>)
        %dma_start3A_83 = arith.constant 0 : i32
        %dma_start3A_84 = tpu.memref_slice %arg3[%multiple_of3A_80, %dma_start3A_83] : memref<320000x128xf32, #tpu.memory_space<hbm>> -> memref<80x128xf32, #tpu.memory_space<hbm>>
        %dma_start3A_85 = arith.constant 0 : i32
        %dma_start3A_86 = tpu.memref_slice %arg3[%multiple_of3A_80, %dma_start3A_85] : memref<320000x128xf32, #tpu.memory_space<hbm>> -> memref<80x128xf32, #tpu.memory_space<hbm>>
        tpu.enqueue_dma source(%dma_start3A_86 : memref<80x128xf32, #tpu.memory_space<hbm>>) target(%arg10 : memref<80x128xf32, #tpu.memory_space<vmem>>) target_semaphore(%arg12 : memref<!tpu.dma_semaphore, #tpu.memory_space<semaphore_mem>>)
      } else {
      }
      %mul3A_42 = arith.constant 160000 : i32
      %mul3A_43 = arith.muli %arg0, %mul3A_42 : i32
      %mul3A_44 = arith.constant 10000 : i32
      %mul3A_45 = arith.muli %arg1, %mul3A_44 : i32
      %add3A_46 = arith.addi %mul3A_43, %mul3A_45 : i32
      %mul3A_47 = arith.constant 80 : i32
      %mul3A_48 = arith.muli %mul3A_34, %mul3A_47 : i32
      %add3A_49 = arith.addi %add3A_46, %mul3A_48 : i32
      %multiple_of3A_50 = tpu.assume_multiple %add3A_49, 8 : i32
      %dma_wait3A = tpu.memref_slice %arg2[%multiple_of3A_50] : memref<320000xi32, #tpu.memory_space<hbm>> -> memref<80xi32, #tpu.memory_space<hbm>>
      %dma_wait3A_51 = tpu.memref_slice %arg2[%multiple_of3A_50] : memref<320000xi32, #tpu.memory_space<hbm>> -> memref<80xi32, #tpu.memory_space<hbm>>
      tpu.wait_dma2 semaphore(%arg13 : memref<!tpu.dma_semaphore, #tpu.memory_space<semaphore_mem>>) src(%dma_wait3A_51 : memref<80xi32, #tpu.memory_space<hbm>>) dst(%arg7 : memref<80xi32, #tpu.memory_space<vmem>>)
      %dma_wait3A_52 = arith.constant 0 : i32
      %dma_wait3A_53 = tpu.memref_slice %arg3[%multiple_of3A_50, %dma_wait3A_52] : memref<320000x128xf32, #tpu.memory_space<hbm>> -> memref<80x128xf32, #tpu.memory_space<hbm>>
      %dma_wait3A_54 = arith.constant 0 : i32
      %dma_wait3A_55 = tpu.memref_slice %arg3[%multiple_of3A_50, %dma_wait3A_54] : memref<320000x128xf32, #tpu.memory_space<hbm>> -> memref<80x128xf32, #tpu.memory_space<hbm>>
      tpu.wait_dma2 semaphore(%arg11 : memref<!tpu.dma_semaphore, #tpu.memory_space<semaphore_mem>>) src(%dma_wait3A_55 : memref<80x128xf32, #tpu.memory_space<hbm>>) dst(%arg9 : memref<80x128xf32, #tpu.memory_space<vmem>>)
      "tpu.region"() ({
        %run_scoped3A = tpu.sem_alloc : memref<!tpu.dma_semaphore, #tpu.memory_space<semaphore_mem>>
        %dma_start3A_70 = arith.constant 0 : i32
        %dma_start3A_71 = arith.constant 0 : i32
        %dma_start3A_72 = tpu.memref_slice %arg6[%dma_start3A_70, %dma_start3A_71] : memref<10000x128xf32, #tpu.memory_space<vmem_shared>> -> memref<10000x128xf32, #tpu.memory_space<vmem_shared>>
        tpu.enqueue_indirect_dma source(%arg9 : memref<80x128xf32, #tpu.memory_space<vmem>>) target(%dma_start3A_72 : memref<10000x128xf32, #tpu.memory_space<vmem_shared>>) offsets(%arg7 : memref<80xi32, #tpu.memory_space<vmem>>) semaphore(%run_scoped3A : memref<!tpu.dma_semaphore, #tpu.memory_space<semaphore_mem>>) {add = true}
        %dma_wait3A_73 = arith.constant 0 : i32
        %dma_wait3A_74 = arith.constant 0 : i32
        %dma_wait3A_75 = tpu.memref_slice %arg6[%dma_wait3A_73, %dma_wait3A_74] : memref<10000x128xf32, #tpu.memory_space<vmem_shared>> -> memref<10000x128xf32, #tpu.memory_space<vmem_shared>>
        tpu.wait_indirect_dma semaphore(%run_scoped3A : memref<!tpu.dma_semaphore, #tpu.memory_space<semaphore_mem>>) src(%arg9 : memref<80x128xf32, #tpu.memory_space<vmem>>) dst(%dma_wait3A_75 : memref<10000x128xf32, #tpu.memory_space<vmem_shared>>)
        tpu.yield
      }) : () -> ()
      %add3A_56 = arith.constant 2 : i32
      %add3A_57 = arith.addi %mul3A_34, %add3A_56 : i32
      %lt3A_58 = arith.constant 125 : i32
      %lt3A_59 = arith.cmpi slt, %add3A_57, %lt3A_58 : i32
      %convert_element_type3A_60 = arith.extui %lt3A_59 : i1 to i32
      %cond3A_61 = arith.constant 0 : i32
      %cond3A_62 = arith.cmpi ne, %convert_element_type3A_60, %cond3A_61 : i32
      scf.if %cond3A_62 {
        %add3A_70 = arith.constant 2 : i32
        %add3A_71 = arith.addi %mul3A_34, %add3A_70 : i32
        %mul3A_72 = arith.constant 160000 : i32
        %mul3A_73 = arith.muli %arg0, %mul3A_72 : i32
        %mul3A_74 = arith.constant 10000 : i32
        %mul3A_75 = arith.muli %arg1, %mul3A_74 : i32
        %add3A_76 = arith.addi %mul3A_73, %mul3A_75 : i32
        %mul3A_77 = arith.constant 80 : i32
        %mul3A_78 = arith.muli %add3A_71, %mul3A_77 : i32
        %add3A_79 = arith.addi %add3A_76, %mul3A_78 : i32
        %multiple_of3A_80 = tpu.assume_multiple %add3A_79, 8 : i32
        %dma_start3A_81 = tpu.memref_slice %arg2[%multiple_of3A_80] : memref<320000xi32, #tpu.memory_space<hbm>> -> memref<80xi32, #tpu.memory_space<hbm>>
        %dma_start3A_82 = tpu.memref_slice %arg2[%multiple_of3A_80] : memref<320000xi32, #tpu.memory_space<hbm>> -> memref<80xi32, #tpu.memory_space<hbm>>
        tpu.enqueue_dma source(%dma_start3A_82 : memref<80xi32, #tpu.memory_space<hbm>>) target(%arg7 : memref<80xi32, #tpu.memory_space<vmem>>) target_semaphore(%arg13 : memref<!tpu.dma_semaphore, #tpu.memory_space<semaphore_mem>>)
        %dma_start3A_83 = arith.constant 0 : i32
        %dma_start3A_84 = tpu.memref_slice %arg3[%multiple_of3A_80, %dma_start3A_83] : memref<320000x128xf32, #tpu.memory_space<hbm>> -> memref<80x128xf32, #tpu.memory_space<hbm>>
        %dma_start3A_85 = arith.constant 0 : i32
        %dma_start3A_86 = tpu.memref_slice %arg3[%multiple_of3A_80, %dma_start3A_85] : memref<320000x128xf32, #tpu.memory_space<hbm>> -> memref<80x128xf32, #tpu.memory_space<hbm>>
        tpu.enqueue_dma source(%dma_start3A_86 : memref<80x128xf32, #tpu.memory_space<hbm>>) target(%arg9 : memref<80x128xf32, #tpu.memory_space<vmem>>) target_semaphore(%arg11 : memref<!tpu.dma_semaphore, #tpu.memory_space<semaphore_mem>>)
      } else {
      }
      %add3A_63 = arith.constant 1 : i32
      %add3A_64 = arith.addi %mul3A_34, %add3A_63 : i32
      %lt3A_65 = arith.constant 125 : i32
      %lt3A_66 = arith.cmpi slt, %add3A_64, %lt3A_65 : i32
      %convert_element_type3A_67 = arith.extui %lt3A_66 : i1 to i32
      %cond3A_68 = arith.constant 0 : i32
      %cond3A_69 = arith.cmpi ne, %convert_element_type3A_67, %cond3A_68 : i32
      scf.if %cond3A_69 {
        %add3A_70 = arith.constant 1 : i32
        %add3A_71 = arith.addi %mul3A_34, %add3A_70 : i32
        %mul3A_72 = arith.constant 160000 : i32
        %mul3A_73 = arith.muli %arg0, %mul3A_72 : i32
        %mul3A_74 = arith.constant 10000 : i32
        %mul3A_75 = arith.muli %arg1, %mul3A_74 : i32
        %add3A_76 = arith.addi %mul3A_73, %mul3A_75 : i32
        %mul3A_77 = arith.constant 80 : i32
        %mul3A_78 = arith.muli %add3A_71, %mul3A_77 : i32
        %add3A_79 = arith.addi %add3A_76, %mul3A_78 : i32
        %multiple_of3A_80 = tpu.assume_multiple %add3A_79, 8 : i32
        %dma_wait3A_81 = tpu.memref_slice %arg2[%multiple_of3A_80] : memref<320000xi32, #tpu.memory_space<hbm>> -> memref<80xi32, #tpu.memory_space<hbm>>
        %dma_wait3A_82 = tpu.memref_slice %arg2[%multiple_of3A_80] : memref<320000xi32, #tpu.memory_space<hbm>> -> memref<80xi32, #tpu.memory_space<hbm>>
        tpu.wait_dma2 semaphore(%arg14 : memref<!tpu.dma_semaphore, #tpu.memory_space<semaphore_mem>>) src(%dma_wait3A_82 : memref<80xi32, #tpu.memory_space<hbm>>) dst(%arg8 : memref<80xi32, #tpu.memory_space<vmem>>)
        %dma_wait3A_83 = arith.constant 0 : i32
        %dma_wait3A_84 = tpu.memref_slice %arg3[%multiple_of3A_80, %dma_wait3A_83] : memref<320000x128xf32, #tpu.memory_space<hbm>> -> memref<80x128xf32, #tpu.memory_space<hbm>>
        %dma_wait3A_85 = arith.constant 0 : i32
        %dma_wait3A_86 = tpu.memref_slice %arg3[%multiple_of3A_80, %dma_wait3A_85] : memref<320000x128xf32, #tpu.memory_space<hbm>> -> memref<80x128xf32, #tpu.memory_space<hbm>>
        tpu.wait_dma2 semaphore(%arg12 : memref<!tpu.dma_semaphore, #tpu.memory_space<semaphore_mem>>) src(%dma_wait3A_86 : memref<80x128xf32, #tpu.memory_space<hbm>>) dst(%arg10 : memref<80x128xf32, #tpu.memory_space<vmem>>)
        "tpu.region"() ({
          %run_scoped3A = tpu.sem_alloc : memref<!tpu.dma_semaphore, #tpu.memory_space<semaphore_mem>>
          %dma_start3A_87 = arith.constant 0 : i32
          %dma_start3A_88 = arith.constant 0 : i32
          %dma_start3A_89 = tpu.memref_slice %arg6[%dma_start3A_87, %dma_start3A_88] : memref<10000x128xf32, #tpu.memory_space<vmem_shared>> -> memref<10000x128xf32, #tpu.memory_space<vmem_shared>>
          tpu.enqueue_indirect_dma source(%arg10 : memref<80x128xf32, #tpu.memory_space<vmem>>) target(%dma_start3A_89 : memref<10000x128xf32, #tpu.memory_space<vmem_shared>>) offsets(%arg8 : memref<80xi32, #tpu.memory_space<vmem>>) semaphore(%run_scoped3A : memref<!tpu.dma_semaphore, #tpu.memory_space<semaphore_mem>>) {add = true}
          %dma_wait3A_90 = arith.constant 0 : i32
          %dma_wait3A_91 = arith.constant 0 : i32
          %dma_wait3A_92 = tpu.memref_slice %arg6[%dma_wait3A_90, %dma_wait3A_91] : memref<10000x128xf32, #tpu.memory_space<vmem_shared>> -> memref<10000x128xf32, #tpu.memory_space<vmem_shared>>
          tpu.wait_indirect_dma semaphore(%run_scoped3A : memref<!tpu.dma_semaphore, #tpu.memory_space<semaphore_mem>>) src(%arg10 : memref<80x128xf32, #tpu.memory_space<vmem>>) dst(%dma_wait3A_92 : memref<10000x128xf32, #tpu.memory_space<vmem_shared>>)
          tpu.yield
        }) : () -> ()
      } else {
      }
    }
    %scan3A_20 = arith.constant 63 : i32
    %barrier3A_21 = arith.constant 0 : index
    tpu.barrier barrier_id(%barrier3A_21)
    %lt3A_22 = arith.constant 15 : i32
    %lt3A_23 = arith.cmpi slt, %arg1, %lt3A_22 : i32
    %convert_element_type3A_24 = arith.extui %lt3A_23 : i1 to i32
    %cond3A_25 = arith.constant 0 : i32
    %cond3A_26 = arith.cmpi ne, %convert_element_type3A_24, %cond3A_25 : i32
    scf.if %cond3A_26 {
      %mul3A_32 = arith.constant 632 : i32
      %mul3A_33 = arith.muli %arg1, %mul3A_32 : i32
      %mul3A_34 = arith.constant 632 : i32
      %mul3A_35 = arith.muli %arg1, %mul3A_34 : i32
      %mul3A_36 = arith.constant 10000 : i32
      %mul3A_37 = arith.muli %arg0, %mul3A_36 : i32
      %add3A_38 = arith.addi %mul3A_37, %mul3A_35 : i32
      %multiple_of3A_39 = tpu.assume_multiple %add3A_38, 8 : i32
      "tpu.region"() ({
        %run_scoped3A = tpu.sem_alloc : memref<!tpu.dma_semaphore, #tpu.memory_space<semaphore_mem>>
        %dma_start3A_40 = arith.constant 0 : i32
        %dma_start3A_41 = tpu.memref_slice %arg5[%multiple_of3A_39, %dma_start3A_40] : memref<20000x128xf32, #tpu.memory_space<hbm>> -> memref<632x128xf32, #tpu.memory_space<hbm>>
        %dma_start3A_42 = arith.constant 0 : i32
        %dma_start3A_43 = tpu.memref_slice %arg6[%mul3A_33, %dma_start3A_42] : memref<10000x128xf32, #tpu.memory_space<vmem_shared>> -> memref<632x128xf32, #tpu.memory_space<vmem_shared>>
        tpu.enqueue_dma source(%dma_start3A_43 : memref<632x128xf32, #tpu.memory_space<vmem_shared>>) target(%dma_start3A_41 : memref<632x128xf32, #tpu.memory_space<hbm>>) target_semaphore(%run_scoped3A : memref<!tpu.dma_semaphore, #tpu.memory_space<semaphore_mem>>)
        %dma_wait3A = arith.constant 0 : i32
        %dma_wait3A_44 = tpu.memref_slice %arg5[%multiple_of3A_39, %dma_wait3A] : memref<20000x128xf32, #tpu.memory_space<hbm>> -> memref<632x128xf32, #tpu.memory_space<hbm>>
        %dma_wait3A_45 = arith.constant 0 : i32
        %dma_wait3A_46 = tpu.memref_slice %arg6[%mul3A_33, %dma_wait3A_45] : memref<10000x128xf32, #tpu.memory_space<vmem_shared>> -> memref<632x128xf32, #tpu.memory_space<vmem_shared>>
        tpu.wait_dma2 semaphore(%run_scoped3A : memref<!tpu.dma_semaphore, #tpu.memory_space<semaphore_mem>>) src(%dma_wait3A_46 : memref<632x128xf32, #tpu.memory_space<vmem_shared>>) dst(%dma_wait3A_44 : memref<632x128xf32, #tpu.memory_space<hbm>>)
        tpu.yield
      }) : () -> ()
    } else {
    }
    %eq3A_27 = arith.constant 15 : i32
    %eq3A_28 = arith.cmpi eq, %arg1, %eq3A_27 : i32
    %convert_element_type3A_29 = arith.extui %eq3A_28 : i1 to i32
    %cond3A_30 = arith.constant 0 : i32
    %cond3A_31 = arith.cmpi ne, %convert_element_type3A_29, %cond3A_30 : i32
    scf.if %cond3A_31 {
      %mul3A_32 = arith.constant 10000 : i32
      %mul3A_33 = arith.muli %arg0, %mul3A_32 : i32
      %add3A_34 = arith.constant 9480 : i32
      %add3A_35 = arith.addi %mul3A_33, %add3A_34 : i32
      %multiple_of3A_36 = tpu.assume_multiple %add3A_35, 8 : i32
      "tpu.region"() ({
        %run_scoped3A = tpu.sem_alloc : memref<!tpu.dma_semaphore, #tpu.memory_space<semaphore_mem>>
        %dma_start3A_37 = arith.constant 0 : i32
        %dma_start3A_38 = tpu.memref_slice %arg5[%multiple_of3A_36, %dma_start3A_37] : memref<20000x128xf32, #tpu.memory_space<hbm>> -> memref<520x128xf32, #tpu.memory_space<hbm>>
        %dma_start3A_39 = arith.constant 9480 : i32
        %dma_start3A_40 = arith.constant 0 : i32
        %dma_start3A_41 = tpu.memref_slice %arg6[%dma_start3A_39, %dma_start3A_40] : memref<10000x128xf32, #tpu.memory_space<vmem_shared>> -> memref<520x128xf32, #tpu.memory_space<vmem_shared>>
        tpu.enqueue_dma source(%dma_start3A_41 : memref<520x128xf32, #tpu.memory_space<vmem_shared>>) target(%dma_start3A_38 : memref<520x128xf32, #tpu.memory_space<hbm>>) target_semaphore(%run_scoped3A : memref<!tpu.dma_semaphore, #tpu.memory_space<semaphore_mem>>)
        %dma_wait3A = arith.constant 0 : i32
        %dma_wait3A_42 = tpu.memref_slice %arg5[%multiple_of3A_36, %dma_wait3A] : memref<20000x128xf32, #tpu.memory_space<hbm>> -> memref<520x128xf32, #tpu.memory_space<hbm>>
        %dma_wait3A_43 = arith.constant 9480 : i32
        %dma_wait3A_44 = arith.constant 0 : i32
        %dma_wait3A_45 = tpu.memref_slice %arg6[%dma_wait3A_43, %dma_wait3A_44] : memref<10000x128xf32, #tpu.memory_space<vmem_shared>> -> memref<520x128xf32, #tpu.memory_space<vmem_shared>>
        tpu.wait_dma2 semaphore(%run_scoped3A : memref<!tpu.dma_semaphore, #tpu.memory_space<semaphore_mem>>) src(%dma_wait3A_45 : memref<520x128xf32, #tpu.memory_space<vmem_shared>>) dst(%dma_wait3A_42 : memref<520x128xf32, #tpu.memory_space<hbm>>)
        tpu.yield
      }) : () -> ()
    } else {
    }
    return
  }
}

module attributes {stable_mosaic.version = 14 : i64} {
  func.func @_combine_body(%arg0: memref<256x256xf32, #tpu.memory_space<vmem>>, %arg1: memref<256x256xf32, #tpu.memory_space<vmem>>, %arg2: memref<528x256xf32, #tpu.memory_space<vmem>>, %arg3: memref<1x256xf32, #tpu.memory_space<vmem>>, %arg4: memref<1x256xf32, #tpu.memory_space<vmem>>, %arg5: memref<256x256xf32, #tpu.memory_space<vmem>>, %arg6: memref<256x256xf32, #tpu.memory_space<vmem>>, %arg7: memref<16x256xf32, #tpu.memory_space<vmem>>, %arg8: memref<1x256xf32, #tpu.memory_space<vmem>>) attributes {dimension_semantics = [], scalar_prefetch = 0 : i64, scratch_operands = 0 : i64, tpu.core_type = #tpu.core_type<tc>} {
    %get3A = arith.constant 0 : index
    %get3A_0 = arith.constant 0 : index
    %get3A_1 = vector.load %arg2[%get3A, %get3A_0] : memref<528x256xf32, #tpu.memory_space<vmem>>, vector<256x256xf32>
    %get3A_2 = arith.constant 256 : index
    %get3A_3 = arith.constant 0 : index
    %get3A_4 = vector.load %arg2[%get3A_2, %get3A_3] : memref<528x256xf32, #tpu.memory_space<vmem>>, vector<16x256xf32>
    %get3A_5 = arith.constant 272 : index
    %get3A_6 = arith.constant 0 : index
    %get3A_7 = vector.load %arg2[%get3A_5, %get3A_6] : memref<528x256xf32, #tpu.memory_space<vmem>>, vector<256x256xf32>
    %get3A_8 = arith.constant 0 : index
    %get3A_9 = arith.constant 0 : index
    %get3A_10 = vector.load %arg0[%get3A_8, %get3A_9] : memref<256x256xf32, #tpu.memory_space<vmem>>, vector<256x256xf32>
    %dot_general3A = arith.constant dense<0.000000e+00> : vector<256x256xf32>
    %dot_general3A_11 = tpu.matmul %get3A_10, %get3A_1, %dot_general3A {dimension_numbers = #tpu.dot_dimension_numbers<[1], [0], [0], [1], [0, 0, 1, 1], [], []>, transpose_lhs_hint = false} : vector<256x256xf32>, vector<256x256xf32>, vector<256x256xf32> -> vector<256x256xf32>
    %swap3A = arith.constant 0 : index
    %swap3A_12 = arith.constant 0 : index
    %swap3A_13 = vector.load %arg5[%swap3A, %swap3A_12] : memref<256x256xf32, #tpu.memory_space<vmem>>, vector<256x256xf32>
    tpu.vector_store %arg5[%swap3A, %swap3A_12], %dot_general3A_11 {strides = array<i32>} : memref<256x256xf32, #tpu.memory_space<vmem>>, vector<256x256xf32>,
    %get3A_14 = arith.constant 0 : index
    %get3A_15 = arith.constant 0 : index
    %get3A_16 = vector.load %arg1[%get3A_14, %get3A_15] : memref<256x256xf32, #tpu.memory_space<vmem>>, vector<256x256xf32>
    %dot_general3A_17 = arith.constant dense<0.000000e+00> : vector<256x256xf32>
    %dot_general3A_18 = tpu.matmul %get3A_16, %get3A_7, %dot_general3A_17 {dimension_numbers = #tpu.dot_dimension_numbers<[1], [0], [0], [1], [0, 0, 1, 1], [], []>, transpose_lhs_hint = false} : vector<256x256xf32>, vector<256x256xf32>, vector<256x256xf32> -> vector<256x256xf32>
    %swap3A_19 = arith.constant 0 : index
    %swap3A_20 = arith.constant 0 : index
    %swap3A_21 = vector.load %arg6[%swap3A_19, %swap3A_20] : memref<256x256xf32, #tpu.memory_space<vmem>>, vector<256x256xf32>
    tpu.vector_store %arg6[%swap3A_19, %swap3A_20], %dot_general3A_18 {strides = array<i32>} : memref<256x256xf32, #tpu.memory_space<vmem>>, vector<256x256xf32>,
    %swap3A_22 = arith.constant 0 : index
    %swap3A_23 = arith.constant 0 : index
    %swap3A_24 = vector.load %arg7[%swap3A_22, %swap3A_23] : memref<16x256xf32, #tpu.memory_space<vmem>>, vector<16x256xf32>
    tpu.vector_store %arg7[%swap3A_22, %swap3A_23], %get3A_4 {strides = array<i32>} : memref<16x256xf32, #tpu.memory_space<vmem>>, vector<16x256xf32>,
    %get3A_25 = arith.constant 0 : index
    %get3A_26 = arith.constant 0 : index
    %get3A_27 = vector.load %arg3[%get3A_25, %get3A_26] : memref<1x256xf32, #tpu.memory_space<vmem>>, vector<1x256xf32>
    %dot_general3A_28 = arith.constant dense<0.000000e+00> : vector<1x256xf32>
    %dot_general3A_29 = tpu.matmul %get3A_27, %get3A_1, %dot_general3A_28 {dimension_numbers = #tpu.dot_dimension_numbers<[1], [0], [0], [1], [0, 0, 1, 1], [], []>, transpose_lhs_hint = false} : vector<1x256xf32>, vector<256x256xf32>, vector<1x256xf32> -> vector<1x256xf32>
    %get3A_30 = arith.constant 0 : index
    %get3A_31 = arith.constant 0 : index
    %get3A_32 = vector.load %arg4[%get3A_30, %get3A_31] : memref<1x256xf32, #tpu.memory_space<vmem>>, vector<1x256xf32>
    %dot_general3A_33 = arith.constant dense<0.000000e+00> : vector<1x256xf32>
    %dot_general3A_34 = tpu.matmul %get3A_32, %get3A_7, %dot_general3A_33 {dimension_numbers = #tpu.dot_dimension_numbers<[1], [0], [0], [1], [0, 0, 1, 1], [], []>, transpose_lhs_hint = false} : vector<1x256xf32>, vector<256x256xf32>, vector<1x256xf32> -> vector<1x256xf32>
    %add3A = arith.addf %dot_general3A_29, %dot_general3A_34 : vector<1x256xf32>
    %swap3A_35 = arith.constant 0 : index
    %swap3A_36 = arith.constant 0 : index
    %swap3A_37 = vector.load %arg8[%swap3A_35, %swap3A_36] : memref<1x256xf32, #tpu.memory_space<vmem>>, vector<1x256xf32>
    tpu.vector_store %arg8[%swap3A_35, %swap3A_36], %add3A {strides = array<i32>} : memref<1x256xf32, #tpu.memory_space<vmem>>, vector<1x256xf32>,
    return
  }
}

module attributes {stable_mosaic.version = 14 : i64} {
  func.func @_out_body(%arg0: i32, %arg1: memref<400x128xf32, #tpu.memory_space<vmem>>, %arg2: memref<400x128xf32, #tpu.memory_space<vmem>>, %arg3: memref<400x128xf32, #tpu.memory_space<vmem>>, %arg4: memref<400x256xf32, #tpu.memory_space<vmem>>, %arg5: memref<256x256xf32, #tpu.memory_space<vmem>>, %arg6: memref<256x256xf32, #tpu.memory_space<vmem>>, %arg7: memref<16x256xf32, #tpu.memory_space<vmem>>, %arg8: memref<1x256xf32, #tpu.memory_space<vmem>>, %arg9: memref<1x256xf32, #tpu.memory_space<vmem>>, %arg10: memref<400x256xf32, #tpu.memory_space<vmem>>) attributes {dimension_semantics = [#tpu.dimension_semantics<arbitrary>], iteration_bounds = array<i64: 25>, scalar_prefetch = 0 : i64, scratch_operands = 0 : i64, tpu.core_type = #tpu.core_type<tc>, window_params = [{transform_indices = @transform_0, window_bounds = array<i64: 400, 128>}, {transform_indices = @transform_1, window_bounds = array<i64: 400, 128>}, {transform_indices = @transform_2, window_bounds = array<i64: 400, 128>}, {transform_indices = @transform_3, window_bounds = array<i64: 400, 256>}, {pipeline_mode = #tpu.pipeline_mode<synchronous>, transform_indices = @transform_4, window_bounds = array<i64: 256, 256>}, {pipeline_mode = #tpu.pipeline_mode<synchronous>, transform_indices = @transform_5, window_bounds = array<i64: 256, 256>}, {pipeline_mode = #tpu.pipeline_mode<synchronous>, transform_indices = @transform_6, window_bounds = array<i64: 16, 256>}, {pipeline_mode = #tpu.pipeline_mode<synchronous>, transform_indices = @transform_7, window_bounds = array<i64: 1, 256>}, {pipeline_mode = #tpu.pipeline_mode<synchronous>, transform_indices = @transform_8, window_bounds = array<i64: 1, 256>}, {transform_indices = @transform_9, window_bounds = array<i64: 400, 256>}]} {
    %get3A = arith.constant 0 : index
    %get3A_0 = arith.constant 0 : index
    %get3A_1 = vector.load %arg3[%get3A, %get3A_0] : memref<400x128xf32, #tpu.memory_space<vmem>>, vector<400x16xf32>
    %get3A_2 = arith.constant 0 : index
    %get3A_3 = arith.constant 16 : index
    %get3A_4 = vector.load %arg3[%get3A_2, %get3A_3] : memref<400x128xf32, #tpu.memory_space<vmem>>, vector<400x1xf32>
    %get3A_5 = arith.constant 0 : index
    %get3A_6 = arith.constant 0 : index
    %get3A_7 = vector.load %arg1[%get3A_5, %get3A_6] : memref<400x128xf32, #tpu.memory_space<vmem>>, vector<400x128xf32>
    %get3A_8 = arith.constant 0 : index
    %get3A_9 = arith.constant 0 : index
    %get3A_10 = vector.load %arg5[%get3A_8, %get3A_9] : memref<256x256xf32, #tpu.memory_space<vmem>>, vector<128x256xf32>
    %dot_general3A = arith.constant dense<0.000000e+00> : vector<400x256xf32>
    %dot_general3A_11 = tpu.matmul %get3A_7, %get3A_10, %dot_general3A {dimension_numbers = #tpu.dot_dimension_numbers<[1], [0], [0], [1], [0, 0, 1, 1], [], []>, transpose_lhs_hint = false} : vector<400x128xf32>, vector<128x256xf32>, vector<400x256xf32> -> vector<400x256xf32>
    %get3A_12 = arith.constant 0 : index
    %get3A_13 = arith.constant 0 : index
    %get3A_14 = vector.load %arg2[%get3A_12, %get3A_13] : memref<400x128xf32, #tpu.memory_space<vmem>>, vector<400x128xf32>
    %get3A_15 = arith.constant 128 : index
    %get3A_16 = arith.constant 0 : index
    %get3A_17 = vector.load %arg5[%get3A_15, %get3A_16] : memref<256x256xf32, #tpu.memory_space<vmem>>, vector<128x256xf32>
    %dot_general3A_18 = arith.constant dense<0.000000e+00> : vector<400x256xf32>
    %dot_general3A_19 = tpu.matmul %get3A_14, %get3A_17, %dot_general3A_18 {dimension_numbers = #tpu.dot_dimension_numbers<[1], [0], [0], [1], [0, 0, 1, 1], [], []>, transpose_lhs_hint = false} : vector<400x128xf32>, vector<128x256xf32>, vector<400x256xf32> -> vector<400x256xf32>
    %add3A = arith.addf %dot_general3A_11, %dot_general3A_19 : vector<400x256xf32>
    %get3A_20 = arith.constant 0 : index
    %get3A_21 = arith.constant 0 : index
    %get3A_22 = vector.load %arg4[%get3A_20, %get3A_21] : memref<400x256xf32, #tpu.memory_space<vmem>>, vector<400x256xf32>
    %mul3A = vector.broadcast %get3A_4 : vector<400x1xf32> to vector<400x256xf32>
    %mul3A_23 = arith.mulf %get3A_22, %mul3A : vector<400x256xf32>
    %get3A_24 = arith.constant 0 : index
    %get3A_25 = arith.constant 0 : index
    %get3A_26 = vector.load %arg6[%get3A_24, %get3A_25] : memref<256x256xf32, #tpu.memory_space<vmem>>, vector<256x256xf32>
    %dot_general3A_27 = arith.constant dense<0.000000e+00> : vector<400x256xf32>
    %dot_general3A_28 = tpu.matmul %mul3A_23, %get3A_26, %dot_general3A_27 {dimension_numbers = #tpu.dot_dimension_numbers<[1], [0], [0], [1], [0, 0, 1, 1], [], []>, transpose_lhs_hint = false} : vector<400x256xf32>, vector<256x256xf32>, vector<400x256xf32> -> vector<400x256xf32>
    %add3A_29 = arith.addf %add3A, %dot_general3A_28 : vector<400x256xf32>
    %get3A_30 = arith.constant 0 : index
    %get3A_31 = arith.constant 0 : index
    %get3A_32 = vector.load %arg7[%get3A_30, %get3A_31] : memref<16x256xf32, #tpu.memory_space<vmem>>, vector<16x256xf32>
    %dot_general3A_33 = arith.constant dense<0.000000e+00> : vector<400x256xf32>
    %dot_general3A_34 = tpu.matmul %get3A_1, %get3A_32, %dot_general3A_33 {dimension_numbers = #tpu.dot_dimension_numbers<[1], [0], [0], [1], [0, 0, 1, 1], [], []>, transpose_lhs_hint = false} : vector<400x16xf32>, vector<16x256xf32>, vector<400x256xf32> -> vector<400x256xf32>
    %add3A_35 = arith.addf %add3A_29, %dot_general3A_34 : vector<400x256xf32>
    %get3A_36 = arith.constant 0 : index
    %get3A_37 = arith.constant 0 : index
    %get3A_38 = vector.load %arg8[%get3A_36, %get3A_37] : memref<1x256xf32, #tpu.memory_space<vmem>>, vector<1x256xf32>
    %mul3A_39 = vector.broadcast %get3A_4 : vector<400x1xf32> to vector<400x256xf32>
    %mul3A_40 = vector.broadcast %get3A_38 : vector<1x256xf32> to vector<400x256xf32>
    %mul3A_41 = arith.mulf %mul3A_39, %mul3A_40 : vector<400x256xf32>
    %add3A_42 = arith.addf %add3A_35, %mul3A_41 : vector<400x256xf32>
    %get3A_43 = arith.constant 0 : index
    %get3A_44 = arith.constant 0 : index
    %get3A_45 = vector.load %arg9[%get3A_43, %get3A_44] : memref<1x256xf32, #tpu.memory_space<vmem>>, vector<1x256xf32>
    %add3A_46 = vector.broadcast %get3A_45 : vector<1x256xf32> to vector<400x256xf32>
    %add3A_47 = arith.addf %add3A_42, %add3A_46 : vector<400x256xf32>
    %swap3A = arith.constant 0 : index
    %swap3A_48 = arith.constant 0 : index
    %swap3A_49 = vector.load %arg10[%swap3A, %swap3A_48] : memref<400x256xf32, #tpu.memory_space<vmem>>, vector<400x256xf32>
    tpu.vector_store %arg10[%swap3A, %swap3A_48], %add3A_47 {strides = array<i32>} : memref<400x256xf32, #tpu.memory_space<vmem>>, vector<400x256xf32>,
    return
  }
  func.func @transform_0(%arg0: i32) -> (i32, i32) {
    %c0_i32 = arith.constant 0 : i32
    %c0_i32_0 = arith.constant 0 : i32
    return %arg0, %c0_i32 : i32, i32
  }
  func.func @transform_1(%arg0: i32) -> (i32, i32) {
    %c0_i32 = arith.constant 0 : i32
    %c0_i32_0 = arith.constant 0 : i32
    return %arg0, %c0_i32 : i32, i32
  }
  func.func @transform_2(%arg0: i32) -> (i32, i32) {
    %c0_i32 = arith.constant 0 : i32
    %c0_i32_0 = arith.constant 0 : i32
    return %arg0, %c0_i32 : i32, i32
  }
  func.func @transform_3(%arg0: i32) -> (i32, i32) {
    %c0_i32 = arith.constant 0 : i32
    %c0_i32_0 = arith.constant 0 : i32
    return %arg0, %c0_i32 : i32, i32
  }
  func.func @transform_4(%arg0: i32) -> (i32, i32) {
    %c0_i32 = arith.constant 0 : i32
    %c0_i32_0 = arith.constant 0 : i32
    %c0_i32_1 = arith.constant 0 : i32
    return %c0_i32, %c0_i32_0 : i32, i32
  }
  func.func @transform_5(%arg0: i32) -> (i32, i32) {
    %c0_i32 = arith.constant 0 : i32
    %c0_i32_0 = arith.constant 0 : i32
    %c0_i32_1 = arith.constant 0 : i32
    return %c0_i32, %c0_i32_0 : i32, i32
  }
  func.func @transform_6(%arg0: i32) -> (i32, i32) {
    %c0_i32 = arith.constant 0 : i32
    %c0_i32_0 = arith.constant 0 : i32
    %c0_i32_1 = arith.constant 0 : i32
    return %c0_i32, %c0_i32_0 : i32, i32
  }
  func.func @transform_7(%arg0: i32) -> (i32, i32) {
    %c0_i32 = arith.constant 0 : i32
    %c0_i32_0 = arith.constant 0 : i32
    %c0_i32_1 = arith.constant 0 : i32
    return %c0_i32, %c0_i32_0 : i32, i32
  }
  func.func @transform_8(%arg0: i32) -> (i32, i32) {
    %c0_i32 = arith.constant 0 : i32
    %c0_i32_0 = arith.constant 0 : i32
    %c0_i32_1 = arith.constant 0 : i32
    return %c0_i32, %c0_i32_0 : i32, i32
  }
  func.func @transform_9(%arg0: i32) -> (i32, i32) {
    %c0_i32 = arith.constant 0 : i32
    %c0_i32_0 = arith.constant 0 : i32
    return %arg0, %c0_i32 : i32, i32
  }
}

</mosaic_0001>

<sc_bundles>
// kernel: kernel.11.cloned.1.call-start
scs
__scs_entry_jumppad:
0x0: {  	(pc) =	sbr.rel $0x88, $3  }
0x1: {  	(tag) =	ssettag $0x0;
	lr =	simm.s32 $0x1  }
0x2: {  	[smem:$0x3F8F] =	sst lr;
	_ =	strace $0xD0000000  }
0x3: {  	_ = 	snop  }
0x4: {  	_ = 	snop  }
0x5: {  	_ = 	snop  }
0x6: {  	_ = 	snop  }
0x7: {  	_ = 	snop  }
__scs_overlays_trampoline_lowered:
0x8: {  	[smem:$0x3F9E] =	sst s0  }
0x9: {  	[smem:$0x3F9F] =	sst s1  }
0xa: {  	[smem:$0x3FA0] =	sst s2  }
0xb: {  	[smem:$0x3FA1] =	sst s3  }
0xc: {  	[smem:$0x3FA2] =	sst s4  }
0xd: {  	[smem:$0x3FA3] =	sst s5  }
0xe: {  	[smem:$0x3FA4] =	sst s6  }
0xf: {  	[smem:$0x3FA5] =	sst s7  }
0x10: {  	[smem:$0x3FA6] =	sst s8  }
0x11: {  	[smem:$0x3FA7] =	sst s9;
	s0 =	simm.s32 @!p0 $0x0  }
0x12: {  	s1 =	sld [smem:$0x3F8D];
	s0 =	simm.s32 @p0 $0x1  }
0x13: {  	[smem:$0x3FA8] =	sst s0;
	s0 =	simm.s32 @!p1 $0x0  }
0x14: {  	s2 =	sld [smem:$0x3F8C];
	s0 =	simm.s32 @p1 $0x1  }
0x15: {  	[smem:$0x3FA9] =	sst s0;
	s0 =	simm.s32 @!p2 $0x0  }
0x16: {  	s3 =	sld [smem:$0x3FDB];
	s0 =	simm.s32 @p2 $0x1  }
0x17: {  	s4 =	simm.s32 $0x1BF5;
	[smem:$0x3FAB] =	sst s0  }
0x18: {  	s0 =	sld [smem:$0x3F8E];
	_ =	swait.ge [sflag:s4], $0x0  }
0x19: {  	s7 =	sld [smem:$0x3F8F]  }
0x1a: {  	s8 =	sadd.s32 $0xFFFFE003, lr  }
0x1b: {  	s9 =	sadd.s32 $0xFFFFFEF7, lr;
	s5 =	simm.s32 $0xFFFFFFFF;
	p2 =	slt.u32 s8, $0xFFFFF086  }
0x1c: {  	p1 =	slt.u32 s9, $0xF7A;
	s5 =	simm.s32 @!p2 $0x0  }
0x1d: {  	s5 =	simm.s32 @p1 $0x1;
	p0 =	seq.s32 s7, s2  }
0x1e: {  	s7 =	smul.u32 @!p0 $0xF7A, s2;
	p2 =	seq.s32 @!p0 s5, $0x0  }
0x1f: {  	s9 =	smul.u32 $0xF7A, s1;
	s8 =	simm.s32 @!p0 $0x1BF5;
	p2 =	por !p2, p0  }
0x20: {  	[sflag:s8] =	ssyncset.s32 @!p0 $0xFFFFF086;
	s6 =	sadd.s32 @!p0 s3, s7;
	s7 =	simm.s32 @!p0 $0x108  }
0x21: {  	s3 =	sadd.s32 s3, s9;
	s6 =	sadd.s32 @!p0 $0x88, s6;
	s7 =	simm.s32 @p2 $0x1082  }
0x22: {  	[simem:s7], [sflag:s8] =	dma.local @!p0 [hbm:s6], $0xF7A  }
0x23: {  	s9 =	sor.u32 $0xD0000000, s2;
	s6 =	simm.s32 $0x108;
	_ =	swait.ge @!p0 [sflag:s8], $0x0  }
0x24: {  	s3 =	sadd.s32 $0x88, s3;
	s6 =	simm.s32 @!p1 $0x1082;
	[sflag:s4] =	ssyncset.s32 $0xFFFFF086  }
0x25: {  	[simem:s6], [sflag:s4] =	dma.local [hbm:s3], $0xF7A  }
0x26: {  	[smem:$0x3F8F] =	sst s1;
	(tag) =	ssettag s2;
	_ =	strace s9  }
0x27: {  	s1 =	sld [smem:$0x3F9F]  }
0x28: {  	s2 =	sld [smem:$0x3FA0]  }
0x29: {  	s4 =	sld [smem:$0x3FA2]  }
0x2a: {  	p0 =	seq.s32 s5, $0x0;
	s5 =	sld [smem:$0x3FA3]  }
0x2b: {  	s6 =	sld [smem:$0x3FA4]  }
0x2c: {  	s7 =	sld [smem:$0x3FA5]  }
0x2d: {  	s3 =	simm.s32 $0x108;
	s8 =	sld [smem:$0x3FA6]  }
0x2e: {  	s3 =	simm.s32 @!p0 $0x1082;
	s9 =	sld [smem:$0x3FA7]  }
0x2f: {  	lr =	sadd.s32 s0, s3;
	s0 =	sld [smem:$0x3F9E]  }
0x30: {  	s3 =	sld [smem:$0x3FA1]  }
0x31: {  	[smem:$0x3FAA] =	sst s10  }
0x32: {  	s10 =	sld [smem:$0x3FA8];
	_ =	sdelay $0x3  }
0x33: {  	p0 =	seq.s32 s10, $0x1;
	s10 =	sld [smem:$0x3FAA];
	_ =	sdelay $0x3  }
0x34: {  	[smem:$0x3FAA] =	sst s10  }
0x35: {  	s10 =	sld [smem:$0x3FA9];
	_ =	sdelay $0x3  }
0x36: {  	p1 =	seq.s32 s10, $0x1;
	s10 =	sld [smem:$0x3FAA];
	_ =	sdelay $0x3  }
0x37: {  	[smem:$0x3FAA] =	sst s10  }
0x38: {  	s10 =	sld [smem:$0x3FAB]  }
0x39: {  	_ = 	snop;
	(pc) =	sbr.ind lr, $3  }
0x3a: {  	_ = 	snop  }
0x3b: {  	_ = 	snop  }
0x3c: {  	p2 =	seq.s32 s10, $0x1;
	s10 =	sld [smem:$0x3FAA]  }
0x3d: {  	_ =	shalt  }
0x3e: {  	_ =	shalt  }
0x3f: {  	_ =	shalt  }
0x40: {  	_ =	shalt  }
0x41: {  	_ =	shalt  }
0x42: {  	_ =	shalt  }
0x43: {  	_ =	shalt  }
0x44: {  	_ =	shalt  }
0x45: {  	_ =	shalt  }
0x46: {  	_ =	shalt  }
0x47: {  	_ =	shalt  }
0x48: {  	_ =	shalt  }
0x49: {  	_ =	shalt  }
0x4a: {  	_ =	shalt  }
0x4b: {  	_ =	shalt  }
0x4c: {  	_ =	shalt  }
0x4d: {  	_ =	shalt  }
0x4e: {  	_ =	shalt  }
0x4f: {  	_ =	shalt  }
0x50: {  	_ =	shalt  }
0x51: {  	_ =	shalt  }
0x52: {  	_ =	shalt  }
0x53: {  	_ =	shalt  }
0x54: {  	_ =	shalt  }
0x55: {  	_ =	shalt  }
0x56: {  	_ =	shalt  }
0x57: {  	_ =	shalt  }
0x58: {  	_ =	shalt  }
0x59: {  	_ =	shalt  }
0x5a: {  	_ =	shalt  }
0x5b: {  	_ =	shalt  }
0x5c: {  	_ =	shalt  }
0x5d: {  	_ =	shalt  }
0x5e: {  	_ =	shalt  }
0x5f: {  	_ =	shalt  }
0x60: {  	_ =	shalt  }
0x61: {  	_ =	shalt  }
0x62: {  	_ =	shalt  }
0x63: {  	_ =	shalt  }
0x64: {  	_ =	shalt  }
0x65: {  	_ =	shalt  }
0x66: {  	_ =	shalt  }
0x67: {  	_ =	shalt  }
0x68: {  	_ =	shalt  }
0x69: {  	_ =	shalt  }
0x6a: {  	_ =	shalt  }
0x6b: {  	_ =	shalt  }
0x6c: {  	_ =	shalt  }
0x6d: {  	_ =	shalt  }
0x6e: {  	_ =	shalt  }
0x6f: {  	_ =	shalt  }
0x70: {  	_ =	shalt  }
0x71: {  	_ =	shalt  }
0x72: {  	_ =	shalt  }
0x73: {  	_ =	shalt  }
0x74: {  	_ =	shalt  }
0x75: {  	_ =	shalt  }
0x76: {  	_ =	shalt  }
0x77: {  	_ =	shalt  }
0x78: {  	_ =	shalt  }
0x79: {  	_ =	shalt  }
0x7a: {  	_ =	shalt  }
0x7b: {  	_ =	shalt  }
0x7c: {  	_ =	shalt  }
0x7d: {  	_ =	shalt  }
0x7e: {  	_ =	shalt  }
0x7f: {  	_ =	shalt  }
0x80: {  	_ =	shalt  }
0x81: {  	_ =	shalt  }
0x82: {  	_ =	shalt  }
0x83: {  	_ =	shalt  }
0x84: {  	_ =	shalt  }
0x85: {  	_ =	shalt  }
0x86: {  	_ =	shalt  }
0x87: {  	_ =	shalt  }
.Lfunc_end0:
.L_simem_size_0:
called_computation.1_lowered:
.L_overlay_start_0:
0x88: {  	s2 =	sld [smem:$0x3FD9]  }
0x89: {  	s3 =	sld [smem:$0x3FFE];
	_ =	sdelay $0x1  }
0x8a: {  	s1 =	srdreg.scid  }
0x8b: {  	s0 =	sand.u32 $0x1, s1  }
0x8c: {  	s15 =	sshll.u32 s0, $0xA;
	s2 =	sadd.s32 s3, s2  }
0x8d: {  	s2 =	sadd.s32 s2, s15  }
0x8e: {  	[smem:$0x3FB6] =	sst s2  }
0x8f: {  	_ = 	snop  }
0x90: {  	s2 =	sld [smem:$0x3FD0];
	_ =	sdelay $0x2  }
0x91: {  	s16 =	simm.s32 $0xB;
	s4 =	simm.s32 $0x10  }
0x92: {  	[smem:s4], [sflag:s16] =	dma.local [hbm:s2], $0x1  }
0x93: {  	_ =	swait.eq [sflag:s16], $0x1  }
0x94: {  	[sflag:s16] =	ssyncset.done $0x0  }
0x95: {  	[sflag:s16] =	ssyncadd.s32 $0xFFFFFFFF  }
0x96: {  	s17 =	sld [smem:$0x11];
	(tm) =	ssettm $0x1  }
0x97: {  	s18 =	sld [smem:$0x3FFB];
	_ =	sdelay $0x3  }
0x98: {  	_ =	strace s18  }
0x99: {  	s2 =	sld [smem:$0x3FFC];
	_ =	sdelay $0x3  }
0x9a: {  	_ =	strace s2  }
0x9b: {  	s2 =	sld [smem:$0x3FFD];
	_ =	sdelay $0x3  }
0x9c: {  	_ =	strace s2  }
0x9d: {  	_ =	strace $0x8FFFFFFF  }
0x9e: {  	s19 =	sld [smem:$0x3FDB];
	_ =	sdelay $0x1  }
0x9f: {  	s20 =	simm.s32 $_scs_section_size  }
0xa0: {  	s5 =	simm.s32 $_size__tile_overlayer_lowered;
	s6 =	simm.s32 $_tile_overlayer_lowered  }
0xa1: {  	s7 =	simm.s32 $0x1BFF;
	s21 =	sshll.u32 s6, $0x1;
	s4 =	sadd.s32 s20, s19  }
0xa2: {  	s22 =	simm.s32 $0x0;
	s5 =	sshll.u32 s5, $0x1;
	s6 =	sadd.s32 s21, s4  }
0xa3: {  	[timem:s22], [sflag:s7] =	dma.local [hbm:s6], s5  }
0xa4: {  	_ =	swait.ge [sflag:s7], s5  }
0xa5: {  	s5 =	ssub.s32 $0x0, s5;
	[sflag:s7] =	ssyncset.done $0x0  }
0xa6: {  	[sflag:s7] =	ssyncadd.s32 s5;
	_ =	sdelay $0x1  }
0xa7: {  	s23 =	simm.s32 $0x1B8B  }
0xa8: {  	_ =	swait.ge [sflag:s23], $0x1  }
0xa9: {  	[sflag:s23] =	ssyncset.done $0x0  }
0xaa: {  	[sflag:s23] =	ssyncadd.s32 $0xFFFFFFFF  }
0xab: {  	s5 =	sld [smem:$0x0]  }
0xac: {  	s6 =	sand.u32 $0xFFFFFFFE, s1  }
0xad: {  	p0 =	sne.s32 s1, s6  }
0xae: {  	s6 =	sshll.u32 @p0 s6, $0xE  }
0xaf: {  	s6 =	sadd.s32 @p0 $0x11B8D, s6;
	s7 =	sshll.u32 @p0 s5, $0x11  }
0xb0: {  	s6 =	sor.u32 @p0 s7, s6  }
0xb1: {  	[sflag:s6] =	ssyncadd.remote.s32 @p0 $0x1;
	_ =	sdelay $0x1  }
0xb2: {  	s6 =	simm.s32 @p0 $0x1B8D  }
0xb3: {  	_ =	swait.eq @p0 [sflag:s6], $0x1  }
0xb4: {  	[sflag:s6] =	ssyncadd.s32 @p0 $0xFFFFFFFF  }
0xb5: {  	s7 =	sshll.u32 @!p0 s1, $0xE  }
0xb6: {  	s7 =	sor.u32 @!p0 $0x4000, s7;
	s6 =	simm.s32 @!p0 $0x1B8D  }
0xb7: {  	s5 =	sshll.u32 @!p0 s5, $0x11;
	s7 =	sadd.s32 @!p0 $0x11B8D, s7;
	_ =	swait.eq @!p0 [sflag:s6], $0x1  }
0xb8: {  	s5 =	sor.u32 @!p0 s5, s7;
	[sflag:s6] =	ssyncadd.s32 @!p0 $0xFFFFFFFF  }
0xb9: {  	s25 =	simm.s32 $0x1B8E;
	s24 =	sld [smem:$0x3FFE];
	[sflag:s5] =	ssyncadd.remote.s32 @!p0 $0x1  }
0xba: {  	s26 =	simm.s32 $execute0_lowered;
	[smem:$0x3FD2] =	sst s25  }
0xbb: {  	s6 =	sshll.u32 s26, $0x1;
	_ =	strace $0x80000049;
	[dreg:$0x1] =	wrdreg $0xFFFFFFFF  }
0xbc: {  	s28 =	simm.s32 $_size_execute0_lowered;
	s4 =	sadd.s32 s4, s6;
	[dreg:$0x0] =	wrdreg $0x0  }
0xbd: {  	s6 =	sshll.u32 s28, $0x1;
	[dreg:$0x2] =	wrdreg s4  }
0xbe: {  	[dreg:$0x3] =	wrdreg s6  }
0xbf: {  	[dreg:$0x4] =	wrdreg $0xC0  }
0xc0: {  	_ =	task [dreg:s22], $0x5FFFF  }
0xc1: {  	[dreg:$0x1] =	wrdreg $0xFFFFFFFF  }
0xc2: {  	[dreg:$0x0] =	wrdreg $0x60  }
0xc3: {  	[dreg:$0x2] =	wrdreg s24  }
0xc4: {  	[dreg:$0x3] =	wrdreg s17  }
0xc5: {  	[dreg:$0x4] =	wrdreg $0x0  }
0xc6: {  	[dreg:$0x5] =	wrdreg $0xA  }
0xc7: {  	_ =	task.clear_ibuf [dreg:s22], $0x6FFFF;
	_ =	strace $0x90000049  }
0xc8: {  	s29 =	simm.s32 $0xA;
	_ =	strace $0x8000004B  }
0xc9: {  	_ =	swait.ge [sflag:s29], $0x1  }
0xca: {  	[sflag:s29] =	ssyncadd.s32 $0xFFFFFFFF  }
0xcb: {  	_ =	strace $0x9000004B  }
0xcc: {  	_ =	sfence  }
0xcd: {  	s30 =	sld [smem:$0x0];
	_ =	sdelay $0x2  }
0xce: {  	s31 =	sshll.u32 s1, $0xD;
	s1 =	sshrl.u32 s1, $0x2  }
0xcf: {  	s4 =	sand.u32 $0x4000, s31;
	s1 =	sadd.s32 s1, s30  }
0xd0: {  	s0 =	sor.u32 s4, s0;
	s1 =	sshll.u32 s1, $0x11  }
0xd1: {  	s0 =	sor.u32 s1, s0  }
0xd2: {  	s0 =	sadd.s32 $0x8F2B, s0  }
0xd3: {  	[sflag:s0] =	ssyncadd.remote.s32 $0x1  }
0xd4: {  	_ =	sfence.sel $0xFFFF  }
0xd5: {  	[dreg:$0x0] =	wrdreg $0xFFFFFFFF;
	(pc) =	sbr.abs _section_cstart, $3  }
0xd6: {  	[dreg:$0x1] =	wrdreg $0xFFFFFFFF  }
0xd7: {  	_ =	task.clear_ibuf [dreg:s22], $0x2FFFF;
	_ =	strace $0x9FFFFFFF  }
0xd8: {  	(tm) =	ssettm $0x7FFFFFFF  }
0xd9: {  	_ =	shalt  }
tec
execute0_lowered:
.L_overlay_start_1:
0x0: {  	(tag) =	ssettag $0x1  }
0x1: {  	s0 =	rddreg [dreg:$0x0]  }
0x2: {  	s2 =	rddreg [dreg:$0x1]  }
0x3: {  	s1 =	rddreg [dreg:$0x2];
	s3 =	simm.s32 $0x0  }
0x4: {  	s4 =	srdreg.scid;
	s17 =	stileid.u32;
	s18 =	simm.s32 $0x13980  }
0x5: {  	s19 =	simm.s32 $0x13900;
	s20 =	simm.s32 $0x16180;
	s6 =	smul.u32 $0x4F000, s17  }
0x6: {  	s28 =	simm.s32 $0x5;
	[smem:$0x7FF] =	sst s3;
	s12 =	smul.u32 $0x2710, s17  }
0x7: {  	s7 =	sand.u32 $0x1, s4;
	s4 =	sadd.s32 $0x2800, s0;
	s22 =	smul.u32 $0x2780, s17  }
0x8: {  	s10 =	sadd.s32 $0xB0B600, s0;
	s5 =	sadd.s32 $0xA8A00, s0;
	s26 =	smul.u32 $0x27100, s17  }
0x9: {  	s14 =	sadd.s32 $0x128400, s1;
	p0 =	seq.s32 s17, $0xF;
	s9 =	smul.u32 $0x27100, s7  }
0xa: {  	s29 =	simm.s32 $0x0;
	_ =	strace $0x8000004A;
	s24 =	smul.u32 $0x138800, s7  }
0xb: {  	s8 =	ssub.s32 $0x2, s7;
	s15 =	smul.u32 $0x271000, s7;
	s0 =	sshll.u32 @!p0 s17, $0x6  }
0xc: {  	s14 =	sshrl.u32 @p0 s14, $0x3;
	s11 =	sshrl.u32 s8, $0x1;
	s6 =	sshrl.u32 s6, $0x2  }
0xd: {  	s17 =	simm.s32 $0x13880;
	s21 =	ssub.s32 s8, s11;
	s16 =	sadd.s32 s6, s1  }
0xe: {  	s12 =	sadd.s32 s12, s9;
	s11 =	sshrl.u32 s24, $0x3;
	s8 =	sadd.s32 s22, s9  }
0xf: {  	s22 =	simm.s32 $0x1;
	s24 =	simm.s32 $0x6;
	s23 =	sshrl.u32 s12, $0x3  }
0x10: {  	s13 =	sshll.u32 s12, $0x4;
	s30 =	sadd.s32 s2, s11;
	s2 =	sadd.s32 s2, s8  }
0x11: {  	s12 =	sadd.s32 $0xA0, s12;
	s16 =	sshrl.u32 @!p0 s16, $0x3;
	s6 =	sadd.s32 s4, s23  }
0x12: {  	s25 =	sadd.s32 s10, s13;
	s10 =	sadd.s32 s15, s10;
	[dreg:$0x5] =	wrdreg s2  }
0x13: {  	s9 =	sadd.s32 $0x25080, s30;
	s15 =	sor.u32 @!p0 $0x1C05, s0;
	s23 =	simm.s32 $0x50  }
0x14: {  	[dreg:$0x4] =	wrdreg s25;
	s31 =	sadd.s32 s26, s10;
	s10 =	smax.u32 s21, $0x1  }
0x15: {  	s8 =	smov.u32 s6;
	s13 =	sadd.s32 $0xA, s6;
	s21 =	simm.s32 $0x3  }
0x16: {  	s25 =	simm.s32 $0x4;
	s26 =	simm.s32 $0x2;
	s11 =	sadd.s32 $0xA00, s31  }
.LBB2_1:
0x17: {  	s0 =	simm.s32 @p0 $0x1FC5  }
0x18: {  	[spmem:s14], [sflag:s0] =	dma.local @p0 [hbm:s5], $0x2080  }
0x19: {  	s0 =	simm.s32 @p0 $0x5  }
0x1a: {  	_ =	swait.ge @p0 [sflag:s0], $0x2080  }
0x1b: {  	[sflag:s0] =	ssyncset.done @p0 $0x0  }
0x1c: {  	[sflag:s0] =	ssyncadd.s32 @p0 $0xFFFFDF80;
	s0 =	simm.s32 @!p0 $0x5  }
0x1d: {  	[spmem:s16], [sflag:s15] =	dma.local @!p0 [hbm:s5], $0x2780  }
0x1e: {  	_ =	swait.ge @!p0 [sflag:s0], $0x2780  }
0x1f: {  	[sflag:s0] =	ssyncset.done @!p0 $0x0  }
0x20: {  	[sflag:s0] =	ssyncadd.s32 @!p0 $0xFFFFD880  }
0x21: {  	[bflag:$0x0] =	sbarrier.arrive $0xFFFF  }
0x22: {  	[tilespmem:s17], [sflag:$0x3] =	stream.linear.gather [hbm4b:s8+s3], $0x50, $0x38;
	[tilespmem:$0x18980] =	vst v63  }
0x23: {  	s7 =	rddreg [dreg:$0x4]  }
0x24: {  	[tilespmem:s18], [sflag:$0x1] =	stream.linear.gather [hbm4b:s7+s3], $0x2800, $0x38;
	[tilespmem:$0x18980] =	vst v63  }
0x25: {  	s2 =	sadd.s32 $0x0, s13  }
0x26: {  	[tilespmem:s19], [sflag:$0x4] =	stream.linear.gather [hbm4b:s2+s3], $0x50, $0x38;
	[tilespmem:$0x18980] =	vst v63  }
0x27: {  	s6 =	sadd.s32 $0xFFFFFB00, s11  }
0x28: {  	[tilespmem:s20], [sflag:$0x2] =	stream.linear.gather [hbm4b:s6+s3], $0x2800, $0x38;
	[tilespmem:$0x18980] =	vst v63  }
0x29: {  	_ =	swait.ge [sflag:s21], $0x50  }
0x2a: {  	[sflag:s21] =	ssyncset.done $0x0  }
0x2b: {  	[sflag:s21] =	ssyncadd.s32 $0xFFFFFFB0  }
0x2c: {  	_ =	swait.ge [sflag:s22], $0x2800  }
0x2d: {  	[sflag:s22] =	ssyncset.done $0x0  }
0x2e: {  	[sflag:s22] =	ssyncadd.s32 $0xFFFFD800  }
0x2f: {  	[spmem:s1] =	stream.indirect.scatter.add.f32 [tilespmem:s18], [sflag:$0x6], $0x80, s17, s23, $0xb8;
	[tilespmem:$0x18980] =	vst v63  }
0x30: {  	_ =	swait.ge [sflag:s24], $0x2800  }
0x31: {  	s7 =	sshrl.u32 s12, $0x3;
	[sflag:s24] =	ssyncset.done $0x0  }
0x32: {  	s0 =	sadd.s32 s4, s7;
	[sflag:s24] =	ssyncadd.s32 $0xFFFFD800  }
0x33: {  	[tilespmem:s17], [sflag:$0x3] =	stream.linear.gather [hbm4b:s0+s3], $0x50, $0x38;
	[tilespmem:$0x18980] =	vst v63  }
0x34: {  	_ = 	snop  }
0x35: {  	[tilespmem:s18], [sflag:$0x1] =	stream.linear.gather [hbm4b:s11+s3], $0x2800, $0x38;
	[tilespmem:$0x18980] =	vst v63  }
0x36: {  	_ =	swait.ge [sflag:s25], $0x50  }
0x37: {  	[sflag:s25] =	ssyncset.done $0x0  }
0x38: {  	[sflag:s25] =	ssyncadd.s32 $0xFFFFFFB0  }
0x39: {  	_ =	swait.ge [sflag:s26], $0x2800  }
0x3a: {  	[sflag:s26] =	ssyncset.done $0x0  }
0x3b: {  	[sflag:s26] =	ssyncadd.s32 $0xFFFFD800  }
0x3c: {  	[spmem:s1] =	stream.indirect.scatter.add.f32 [tilespmem:s20], [sflag:$0x5], $0x80, s19, s23, $0xb8;
	[tilespmem:$0x18980] =	vst v63  }
0x3d: {  	s30 =	sadd.s32 $0xA00, s11;
	s31 =	sadd.s32 $0xA0, s12;
	_ =	swait.ge [sflag:s28], $0x2800  }
0x3e: {  	s2 =	simm.s32 $0x28;
	s0 =	simm.s32 $0x14;
	[sflag:s28] =	ssyncset.done $0x0  }
.LBB2_2:
0x3f: {  	s7 =	sadd.s32 s0, s13  }
0x40: {  	[sflag:s28] =	ssyncadd.s32 $0xFFFFD800;
	s0 =	smov.u32 s2;
	s6 =	sadd.s32 $0x14, s2  }
0x41: {  	[tilespmem:s19], [sflag:$0x4] =	stream.linear.gather [hbm4b:s7+s3], $0x50, $0x38;
	[tilespmem:$0x18980] =	vst v63  }
0x42: {  	p1 =	sne.s32 s2, $0x4C4;
	s2 =	sadd.s32 $0xFFFFFB00, s30  }
0x43: {  	[tilespmem:s20], [sflag:$0x2] =	stream.linear.gather [hbm4b:s2+s3], $0x2800, $0x38;
	[tilespmem:$0x18980] =	vst v63  }
0x44: {  	_ =	swait.ge [sflag:s21], $0x50  }
0x45: {  	[sflag:s21] =	ssyncset.done $0x0  }
0x46: {  	[sflag:s21] =	ssyncadd.s32 $0xFFFFFFB0  }
0x47: {  	_ =	swait.ge [sflag:s22], $0x2800  }
0x48: {  	[sflag:s22] =	ssyncset.done $0x0  }
0x49: {  	[sflag:s22] =	ssyncadd.s32 $0xFFFFD800  }
0x4a: {  	[spmem:s1] =	stream.indirect.scatter.add.f32 [tilespmem:s18], [sflag:$0x6], $0x80, s17, s23, $0xb8;
	[tilespmem:$0x18980] =	vst v63  }
0x4b: {  	_ =	swait.ge [sflag:s24], $0x2800  }
0x4c: {  	s2 =	sshrl.u32 s31, $0x3;
	[sflag:s24] =	ssyncset.done $0x0  }
0x4d: {  	s2 =	sadd.s32 s4, s2;
	[sflag:s24] =	ssyncadd.s32 $0xFFFFD800  }
0x4e: {  	[tilespmem:s17], [sflag:$0x3] =	stream.linear.gather [hbm4b:s2+s3], $0x50, $0x38;
	[tilespmem:$0x18980] =	vst v63  }
0x4f: {  	_ = 	snop  }
0x50: {  	[tilespmem:s18], [sflag:$0x1] =	stream.linear.gather [hbm4b:s30+s3], $0x2800, $0x38;
	[tilespmem:$0x18980] =	vst v63  }
0x51: {  	_ =	swait.ge [sflag:s25], $0x50  }
0x52: {  	[sflag:s25] =	ssyncset.done $0x0  }
0x53: {  	[sflag:s25] =	ssyncadd.s32 $0xFFFFFFB0  }
0x54: {  	_ =	swait.ge [sflag:s26], $0x2800  }
.Ltmp0:
0x55: {  	[sflag:s26] =	ssyncset.done $0x0;
	(pc) =	sbr.rel @p1 .LBB2_2-.Ltmp0, $4  }
0x56: {  	[sflag:s26] =	ssyncadd.s32 $0xFFFFD800  }
0x57: {  	[spmem:s1] =	stream.indirect.scatter.add.f32 [tilespmem:s20], [sflag:$0x5], $0x80, s19, s23, $0xb8;
	[tilespmem:$0x18980] =	vst v63  }
0x58: {  	s31 =	sadd.s32 $0xA0, s31;
	_ =	swait.ge [sflag:s28], $0x2800  }
0x59: {  	s2 =	smov.u32 s6;
	s30 =	sadd.s32 $0xA00, s30;
	[sflag:s28] =	ssyncset.done $0x0  }
0x5a: {  	s0 =	sadd.s32 s0, s13;
	[sflag:s28] =	ssyncadd.s32 $0xFFFFD800  }
0x5b: {  	[tilespmem:s19], [sflag:$0x4] =	stream.linear.gather [hbm4b:s0+s3], $0x50, $0x38;
	[tilespmem:$0x18980] =	vst v63  }
0x5c: {  	s7 =	sadd.s32 $0xFFFFFB00, s30  }
0x5d: {  	[tilespmem:s20], [sflag:$0x2] =	stream.linear.gather [hbm4b:s7+s3], $0x2800, $0x38;
	[tilespmem:$0x18980] =	vst v63  }
0x5e: {  	_ =	swait.ge [sflag:s21], $0x50  }
0x5f: {  	[sflag:s21] =	ssyncset.done $0x0  }
0x60: {  	[sflag:s21] =	ssyncadd.s32 $0xFFFFFFB0  }
0x61: {  	_ =	swait.ge [sflag:s22], $0x2800  }
0x62: {  	[sflag:s22] =	ssyncset.done $0x0  }
0x63: {  	[sflag:s22] =	ssyncadd.s32 $0xFFFFD800  }
0x64: {  	[spmem:s1] =	stream.indirect.scatter.add.f32 [tilespmem:s18], [sflag:$0x6], $0x80, s17, s23, $0xb8;
	[tilespmem:$0x18980] =	vst v63  }
0x65: {  	_ =	swait.ge [sflag:s24], $0x2800  }
0x66: {  	s31 =	sshrl.u32 s31, $0x3;
	[sflag:s24] =	ssyncset.done $0x0  }
0x67: {  	s0 =	sadd.s32 s4, s31;
	[sflag:s24] =	ssyncadd.s32 $0xFFFFD800  }
0x68: {  	[tilespmem:s17], [sflag:$0x3] =	stream.linear.gather [hbm4b:s0+s3], $0x50, $0x38;
	[tilespmem:$0x18980] =	vst v63  }
0x69: {  	_ = 	snop  }
0x6a: {  	[tilespmem:s18], [sflag:$0x1] =	stream.linear.gather [hbm4b:s30+s3], $0x2800, $0x38;
	[tilespmem:$0x18980] =	vst v63  }
0x6b: {  	_ =	swait.ge [sflag:s25], $0x50  }
0x6c: {  	[sflag:s25] =	ssyncset.done $0x0  }
0x6d: {  	[sflag:s25] =	ssyncadd.s32 $0xFFFFFFB0  }
0x6e: {  	_ =	swait.ge [sflag:s26], $0x2800  }
0x6f: {  	[sflag:s26] =	ssyncset.done $0x0  }
0x70: {  	[sflag:s26] =	ssyncadd.s32 $0xFFFFD800  }
0x71: {  	[spmem:s1] =	stream.indirect.scatter.add.f32 [tilespmem:s20], [sflag:$0x5], $0x80, s19, s23, $0xb8;
	[tilespmem:$0x18980] =	vst v63  }
0x72: {  	_ =	swait.ge [sflag:s28], $0x2800  }
0x73: {  	[sflag:s28] =	ssyncset.done $0x0  }
0x74: {  	[sflag:s28] =	ssyncadd.s32 $0xFFFFD800  }
0x75: {  	_ =	swait.ge [sflag:s21], $0x50  }
0x76: {  	[sflag:s21] =	ssyncset.done $0x0  }
0x77: {  	[sflag:s21] =	ssyncadd.s32 $0xFFFFFFB0  }
0x78: {  	_ =	swait.ge [sflag:s22], $0x2800  }
0x79: {  	[sflag:s22] =	ssyncset.done $0x0  }
0x7a: {  	[sflag:s22] =	ssyncadd.s32 $0xFFFFD800  }
0x7b: {  	[spmem:s1] =	stream.indirect.scatter.add.f32 [tilespmem:s18], [sflag:$0x6], $0x80, s17, s23, $0xb8;
	[tilespmem:$0x18980] =	vst v63  }
0x7c: {  	_ =	swait.ge [sflag:s24], $0x2800  }
0x7d: {  	[sflag:s24] =	ssyncset.done $0x0  }
0x7e: {  	[sflag:s24] =	ssyncadd.s32 $0xFFFFD800  }
0x7f: {  	s0 =	simm.s32 @p0 $0x1FC5;
	[bflag:$0x0] =	sbarrier.arrive $0xFFFF  }
0x80: {  	[hbm:s9], [sflag:s0] =	dma.local @p0 [spmem:s14], $0x2080  }
0x81: {  	s0 =	simm.s32 @p0 $0x5  }
0x82: {  	_ =	swait.ge @p0 [sflag:s0], $0x2080  }
0x83: {  	s29 =	sadd.s32 $0x1, s29;
	[sflag:s0] =	ssyncset.done @p0 $0x0  }
0x84: {  	p1 =	sne.s32 s29, s10;
	[sflag:s0] =	ssyncadd.s32 @p0 $0xFFFFDF80;
	s0 =	rddreg [dreg:$0x5]  }
0x85: {  	[hbm:s0], [sflag:s15] =	dma.local @!p0 [spmem:s16], $0x2780  }
.Ltmp1:
0x86: {  	_ = 	snop;
	(pc) =	sbr.rel @p1 .LBB2_1-.Ltmp1, $4  }
0x87: {  	s0 =	simm.s32 @!p0 $0x5  }
0x88: {  	_ =	swait.ge @!p0 [sflag:s0], $0x2780  }
0x89: {  	[sflag:s0] =	ssyncset.done @!p0 $0x0  }
0x8a: {  	[sflag:s0] =	ssyncadd.s32 @!p0 $0xFFFFD880  }
0x8b: {  	_ =	sfence.sel $0x180000  }
0x8c: {  	[bflag:$0x0] =	sbarrier.arrive $0xFFFF  }
0x8d: {  	_ =	strace $0x9000004A  }
0x8e: {  	s0 =	stileid.u32;
	[bflag:$0x2] =	sbarrier.arrive $0xFFFF  }
0x8f: {  	p0 =	sne.s32 s0, $0x0;
	s0 =	rddreg [dreg:$0x3]  }
0x90: {  	s0 =	sadd.s32 @!p0 $0x100000, s0  }
0x91: {  	[sflag:s0] =	ssyncadd.tile.s32 @!p0 $0x1;
	_ =	shalt  }
.Lfunc_end2:
_tile_overlayer_lowered:
.L_overlay_start_2:
0x92: {  	(tag) =	ssettag $0x2  }
0x93: {  	s0 =	rddreg [dreg:$0x0];
	s2 =	stileid.u32  }
0x94: {  	s1 =	rddreg [dreg:$0x1];
	p0 =	sne.s32 s2, $0x0  }
0x95: {  	s3 =	rddreg [dreg:$0x2];
	[bflag:$0x3] =	sbarrier.arrive $0xFFFF;
	s2 =	simm.s32 @!p0 $0x1C05  }
0x96: {  	[timem:s3], [sflag:s2] =	dma.local @!p0 [hbm:s0], s1  }
0x97: {  	s0 =	simm.s32 @!p0 $0x5  }
0x98: {  	_ =	swait.ge @!p0 [sflag:s0], s1  }
0x99: {  	s1 =	ssub.s32 @!p0 $0x0, s1;
	[sflag:s0] =	ssyncset.done @!p0 $0x0  }
0x9a: {  	[sflag:s0] =	ssyncadd.s32 @!p0 s1  }
0x9b: {  	[bflag:$0x3] =	sbarrier.arrive $0xFFFF  }
0x9c: {  	_ =	shalt  }

// kernel: kernel.8.cloned.1.call-start
scs
__scs_entry_jumppad:
0x0: {  	(pc) =	sbr.rel $0x88, $3  }
0x1: {  	(tag) =	ssettag $0x0;
	lr =	simm.s32 $0x1  }
0x2: {  	[smem:$0x3F8F] =	sst lr;
	_ =	strace $0xD0000000  }
0x3: {  	_ = 	snop  }
0x4: {  	_ = 	snop  }
0x5: {  	_ = 	snop  }
0x6: {  	_ = 	snop  }
0x7: {  	_ = 	snop  }
__scs_overlays_trampoline_lowered:
0x8: {  	[smem:$0x3F9E] =	sst s0  }
0x9: {  	[smem:$0x3F9F] =	sst s1  }
0xa: {  	[smem:$0x3FA0] =	sst s2  }
0xb: {  	[smem:$0x3FA1] =	sst s3  }
0xc: {  	[smem:$0x3FA2] =	sst s4  }
0xd: {  	[smem:$0x3FA3] =	sst s5  }
0xe: {  	[smem:$0x3FA4] =	sst s6  }
0xf: {  	[smem:$0x3FA5] =	sst s7  }
0x10: {  	[smem:$0x3FA6] =	sst s8  }
0x11: {  	[smem:$0x3FA7] =	sst s9;
	s0 =	simm.s32 @!p0 $0x0  }
0x12: {  	s1 =	sld [smem:$0x3F8D];
	s0 =	simm.s32 @p0 $0x1  }
0x13: {  	[smem:$0x3FA8] =	sst s0;
	s0 =	simm.s32 @!p1 $0x0  }
0x14: {  	s2 =	sld [smem:$0x3F8C];
	s0 =	simm.s32 @p1 $0x1  }
0x15: {  	[smem:$0x3FA9] =	sst s0;
	s0 =	simm.s32 @!p2 $0x0  }
0x16: {  	s3 =	sld [smem:$0x3FDB];
	s0 =	simm.s32 @p2 $0x1  }
0x17: {  	s4 =	simm.s32 $0x1BF5;
	[smem:$0x3FAB] =	sst s0  }
0x18: {  	s0 =	sld [smem:$0x3F8E];
	_ =	swait.ge [sflag:s4], $0x0  }
0x19: {  	s7 =	sld [smem:$0x3F8F]  }
0x1a: {  	s8 =	sadd.s32 $0xFFFFE003, lr  }
0x1b: {  	s9 =	sadd.s32 $0xFFFFFEF7, lr;
	s5 =	simm.s32 $0xFFFFFFFF;
	p2 =	slt.u32 s8, $0xFFFFF086  }
0x1c: {  	p1 =	slt.u32 s9, $0xF7A;
	s5 =	simm.s32 @!p2 $0x0  }
0x1d: {  	s5 =	simm.s32 @p1 $0x1;
	p0 =	seq.s32 s7, s2  }
0x1e: {  	s7 =	smul.u32 @!p0 $0xF7A, s2;
	p2 =	seq.s32 @!p0 s5, $0x0  }
0x1f: {  	s9 =	smul.u32 $0xF7A, s1;
	s8 =	simm.s32 @!p0 $0x1BF5;
	p2 =	por !p2, p0  }
0x20: {  	[sflag:s8] =	ssyncset.s32 @!p0 $0xFFFFF086;
	s6 =	sadd.s32 @!p0 s3, s7;
	s7 =	simm.s32 @!p0 $0x108  }
0x21: {  	s3 =	sadd.s32 s3, s9;
	s6 =	sadd.s32 @!p0 $0x88, s6;
	s7 =	simm.s32 @p2 $0x1082  }
0x22: {  	[simem:s7], [sflag:s8] =	dma.local @!p0 [hbm:s6], $0xF7A  }
0x23: {  	s9 =	sor.u32 $0xD0000000, s2;
	s6 =	simm.s32 $0x108;
	_ =	swait.ge @!p0 [sflag:s8], $0x0  }
0x24: {  	s3 =	sadd.s32 $0x88, s3;
	s6 =	simm.s32 @!p1 $0x1082;
	[sflag:s4] =	ssyncset.s32 $0xFFFFF086  }
0x25: {  	[simem:s6], [sflag:s4] =	dma.local [hbm:s3], $0xF7A  }
0x26: {  	[smem:$0x3F8F] =	sst s1;
	(tag) =	ssettag s2;
	_ =	strace s9  }
0x27: {  	s1 =	sld [smem:$0x3F9F]  }
0x28: {  	s2 =	sld [smem:$0x3FA0]  }
0x29: {  	s4 =	sld [smem:$0x3FA2]  }
0x2a: {  	p0 =	seq.s32 s5, $0x0;
	s5 =	sld [smem:$0x3FA3]  }
0x2b: {  	s6 =	sld [smem:$0x3FA4]  }
0x2c: {  	s7 =	sld [smem:$0x3FA5]  }
0x2d: {  	s3 =	simm.s32 $0x108;
	s8 =	sld [smem:$0x3FA6]  }
0x2e: {  	s3 =	simm.s32 @!p0 $0x1082;
	s9 =	sld [smem:$0x3FA7]  }
0x2f: {  	lr =	sadd.s32 s0, s3;
	s0 =	sld [smem:$0x3F9E]  }
0x30: {  	s3 =	sld [smem:$0x3FA1]  }
0x31: {  	[smem:$0x3FAA] =	sst s10  }
0x32: {  	s10 =	sld [smem:$0x3FA8];
	_ =	sdelay $0x3  }
0x33: {  	p0 =	seq.s32 s10, $0x1;
	s10 =	sld [smem:$0x3FAA];
	_ =	sdelay $0x3  }
0x34: {  	[smem:$0x3FAA] =	sst s10  }
0x35: {  	s10 =	sld [smem:$0x3FA9];
	_ =	sdelay $0x3  }
0x36: {  	p1 =	seq.s32 s10, $0x1;
	s10 =	sld [smem:$0x3FAA];
	_ =	sdelay $0x3  }
0x37: {  	[smem:$0x3FAA] =	sst s10  }
0x38: {  	s10 =	sld [smem:$0x3FAB]  }
0x39: {  	_ = 	snop;
	(pc) =	sbr.ind lr, $3  }
0x3a: {  	_ = 	snop  }
0x3b: {  	_ = 	snop  }
0x3c: {  	p2 =	seq.s32 s10, $0x1;
	s10 =	sld [smem:$0x3FAA]  }
0x3d: {  	_ =	shalt  }
0x3e: {  	_ =	shalt  }
0x3f: {  	_ =	shalt  }
0x40: {  	_ =	shalt  }
0x41: {  	_ =	shalt  }
0x42: {  	_ =	shalt  }
0x43: {  	_ =	shalt  }
0x44: {  	_ =	shalt  }
0x45: {  	_ =	shalt  }
0x46: {  	_ =	shalt  }
0x47: {  	_ =	shalt  }
0x48: {  	_ =	shalt  }
0x49: {  	_ =	shalt  }
0x4a: {  	_ =	shalt  }
0x4b: {  	_ =	shalt  }
0x4c: {  	_ =	shalt  }
0x4d: {  	_ =	shalt  }
0x4e: {  	_ =	shalt  }
0x4f: {  	_ =	shalt  }
0x50: {  	_ =	shalt  }
0x51: {  	_ =	shalt  }
0x52: {  	_ =	shalt  }
0x53: {  	_ =	shalt  }
0x54: {  	_ =	shalt  }
0x55: {  	_ =	shalt  }
0x56: {  	_ =	shalt  }
0x57: {  	_ =	shalt  }
0x58: {  	_ =	shalt  }
0x59: {  	_ =	shalt  }
0x5a: {  	_ =	shalt  }
0x5b: {  	_ =	shalt  }
0x5c: {  	_ =	shalt  }
0x5d: {  	_ =	shalt  }
0x5e: {  	_ =	shalt  }
0x5f: {  	_ =	shalt  }
0x60: {  	_ =	shalt  }
0x61: {  	_ =	shalt  }
0x62: {  	_ =	shalt  }
0x63: {  	_ =	shalt  }
0x64: {  	_ =	shalt  }
0x65: {  	_ =	shalt  }
0x66: {  	_ =	shalt  }
0x67: {  	_ =	shalt  }
0x68: {  	_ =	shalt  }
0x69: {  	_ =	shalt  }
0x6a: {  	_ =	shalt  }
0x6b: {  	_ =	shalt  }
0x6c: {  	_ =	shalt  }
0x6d: {  	_ =	shalt  }
0x6e: {  	_ =	shalt  }
0x6f: {  	_ =	shalt  }
0x70: {  	_ =	shalt  }
0x71: {  	_ =	shalt  }
0x72: {  	_ =	shalt  }
0x73: {  	_ =	shalt  }
0x74: {  	_ =	shalt  }
0x75: {  	_ =	shalt  }
0x76: {  	_ =	shalt  }
0x77: {  	_ =	shalt  }
0x78: {  	_ =	shalt  }
0x79: {  	_ =	shalt  }
0x7a: {  	_ =	shalt  }
0x7b: {  	_ =	shalt  }
0x7c: {  	_ =	shalt  }
0x7d: {  	_ =	shalt  }
0x7e: {  	_ =	shalt  }
0x7f: {  	_ =	shalt  }
0x80: {  	_ =	shalt  }
0x81: {  	_ =	shalt  }
0x82: {  	_ =	shalt  }
0x83: {  	_ =	shalt  }
0x84: {  	_ =	shalt  }
0x85: {  	_ =	shalt  }
0x86: {  	_ =	shalt  }
0x87: {  	_ =	shalt  }
.Lfunc_end0:
.L_simem_size_0:
called_computation_lowered:
.L_overlay_start_0:
0x88: {  	s2 =	sld [smem:$0x3FD9]  }
0x89: {  	s3 =	sld [smem:$0x3FFE];
	_ =	sdelay $0x1  }
0x8a: {  	s1 =	srdreg.scid  }
0x8b: {  	s0 =	sand.u32 $0x1, s1  }
0x8c: {  	s14 =	sshll.u32 s0, $0xA;
	s2 =	sadd.s32 s3, s2  }
0x8d: {  	s2 =	sadd.s32 s2, s14  }
0x8e: {  	[smem:$0x3FB6] =	sst s2  }
0x8f: {  	_ = 	snop  }
0x90: {  	s2 =	sld [smem:$0x3FD0];
	_ =	sdelay $0x2  }
0x91: {  	s15 =	simm.s32 $0xB;
	s4 =	simm.s32 $0x10  }
0x92: {  	[smem:s4], [sflag:s15] =	dma.local [hbm:s2], $0x1  }
0x93: {  	_ =	swait.eq [sflag:s15], $0x1  }
0x94: {  	[sflag:s15] =	ssyncset.done $0x0  }
0x95: {  	[sflag:s15] =	ssyncadd.s32 $0xFFFFFFFF  }
0x96: {  	s16 =	sld [smem:$0x10];
	(tm) =	ssettm $0x1  }
0x97: {  	s17 =	sld [smem:$0x3FFB];
	_ =	sdelay $0x3  }
0x98: {  	_ =	strace s17  }
0x99: {  	s3 =	sld [smem:$0x3FFC];
	_ =	sdelay $0x3  }
0x9a: {  	_ =	strace s3  }
0x9b: {  	s3 =	sld [smem:$0x3FFD];
	_ =	sdelay $0x3  }
0x9c: {  	_ =	strace s3  }
0x9d: {  	_ =	strace $0x8FFFFFFF  }
0x9e: {  	s18 =	sld [smem:$0x3FDB];
	_ =	sdelay $0x1  }
0x9f: {  	s19 =	simm.s32 $_scs_section_size  }
0xa0: {  	s5 =	simm.s32 $_size__tile_overlayer_lowered;
	s6 =	simm.s32 $_tile_overlayer_lowered  }
0xa1: {  	s22 =	simm.s32 $0x1BFF;
	s21 =	sshll.u32 s6, $0x1;
	s3 =	sadd.s32 s19, s18  }
0xa2: {  	s7 =	simm.s32 $0x0;
	s20 =	sshll.u32 s5, $0x1;
	s5 =	sadd.s32 s21, s3  }
0xa3: {  	[timem:s7], [sflag:s22] =	dma.local [hbm:s5], s20  }
0xa4: {  	_ =	swait.ge [sflag:s22], s20  }
0xa5: {  	s4 =	ssub.s32 $0x0, s20;
	[sflag:s22] =	ssyncset.done $0x0  }
0xa6: {  	[sflag:s22] =	ssyncadd.s32 s4;
	_ =	sdelay $0x1  }
0xa7: {  	s23 =	simm.s32 $0x1B8B  }
0xa8: {  	_ =	swait.ge [sflag:s23], $0x1  }
0xa9: {  	[sflag:s23] =	ssyncset.done $0x0  }
0xaa: {  	s25 =	simm.s32 $0x1B8E;
	s24 =	sld [smem:$0x3FFE];
	[sflag:s23] =	ssyncadd.s32 $0xFFFFFFFF  }
0xab: {  	s26 =	simm.s32 $execute0_lowered;
	[smem:$0x3FD2] =	sst s25  }
0xac: {  	s5 =	sshll.u32 s26, $0x1;
	_ =	strace $0x80000046;
	[dreg:$0x1] =	wrdreg $0xFFFFFFFF  }
0xad: {  	s28 =	simm.s32 $_size_execute0_lowered;
	s3 =	sadd.s32 s3, s5;
	[dreg:$0x0] =	wrdreg $0x0  }
0xae: {  	s5 =	sshll.u32 s28, $0x1;
	[dreg:$0x2] =	wrdreg s3  }
0xaf: {  	[dreg:$0x3] =	wrdreg s5  }
0xb0: {  	[dreg:$0x4] =	wrdreg $0xC0  }
0xb1: {  	_ =	task [dreg:s7], $0x5FFFF  }
0xb2: {  	[dreg:$0x1] =	wrdreg $0xFFFFFFFF  }
0xb3: {  	[dreg:$0x0] =	wrdreg $0x60  }
0xb4: {  	[dreg:$0x2] =	wrdreg s16  }
0xb5: {  	[dreg:$0x3] =	wrdreg s24  }
0xb6: {  	[dreg:$0x4] =	wrdreg $0x0  }
0xb7: {  	[dreg:$0x5] =	wrdreg $0x9  }
0xb8: {  	_ =	task.clear_ibuf [dreg:s7], $0x6FFFF;
	_ =	strace $0x90000046  }
0xb9: {  	s29 =	simm.s32 $0x9;
	_ =	strace $0x80000048  }
0xba: {  	_ =	swait.ge [sflag:s29], $0x1  }
0xbb: {  	[sflag:s29] =	ssyncadd.s32 $0xFFFFFFFF  }
0xbc: {  	_ =	strace $0x90000048  }
0xbd: {  	_ =	sfence  }
0xbe: {  	s30 =	sld [smem:$0x0];
	_ =	sdelay $0x2  }
0xbf: {  	s31 =	sshll.u32 s1, $0xD;
	s1 =	sshrl.u32 s1, $0x2  }
0xc0: {  	s3 =	sand.u32 $0x4000, s31;
	s1 =	sadd.s32 s1, s30  }
0xc1: {  	s0 =	sor.u32 s3, s0;
	s1 =	sshll.u32 s1, $0x11  }
0xc2: {  	s0 =	sor.u32 s1, s0  }
0xc3: {  	s0 =	sadd.s32 $0x8F2B, s0  }
0xc4: {  	[sflag:s0] =	ssyncadd.remote.s32 $0x1  }
0xc5: {  	_ =	sfence.sel $0xFFFF  }
0xc6: {  	[dreg:$0x0] =	wrdreg $0xFFFFFFFF;
	(pc) =	sbr.abs _section_cstart, $3  }
0xc7: {  	[dreg:$0x1] =	wrdreg $0xFFFFFFFF  }
0xc8: {  	_ =	task.clear_ibuf [dreg:s7], $0x2FFFF;
	_ =	strace $0x9FFFFFFF  }
0xc9: {  	(tm) =	ssettm $0x7FFFFFFF  }
tec
execute0_lowered:
.L_overlay_start_1:
0x0: {  	(tag) =	ssettag $0x1  }
0x1: {  	s25 =	rddreg [dreg:$0x0]  }
0x2: {  	s0 =	rddreg [dreg:$0x1]  }
0x3: {  	s2 =	rddreg [dreg:$0x2];
	s4 =	simm.s32 $0x0  }
0x4: {  	s1 =	srdreg.scid;
	s14 =	stileid.u32;
	s28 =	simm.s32 $0x13A00  }
0x5: {  	s29 =	simm.s32 $0x13880;
	s30 =	simm.s32 $0x7;
	s31 =	simm.s32 $0x50  }
0x6: {  	[smem:$0x7FF] =	sst s4;
	s1 =	sand.u32 $0x1, s1;
	s3 =	smul.u32 $0x4F000, s14  }
0x7: {  	s5 =	sadd.s32 $0x2800, s0;
	s6 =	sadd.s32 $0xC600, s0;
	s10 =	smul.u32 $0x2710, s14  }
0x8: {  	s11 =	sadd.s32 $0xA8A00, s0;
	s0 =	sadd.s32 $0xAB200, s0;
	s19 =	smul.u32 $0x2780, s14  }
0x9: {  	s17 =	sadd.s32 $0x128400, s2;
	p0 =	seq.s32 s14, $0xF;
	s8 =	smul.u32 $0x27100, s1  }
0xa: {  	_ =	strace $0x80000047;
	[dreg:$0x7] =	wrdreg s11;
	s11 =	smul.u32 $0x4E200, s1  }
0xb: {  	s7 =	ssub.s32 $0x2, s1;
	s13 =	smul.u32 $0x271000, s1;
	s1 =	sshllo.u32 s1, $0x1  }
0xc: {  	s14 =	simm.s32 $0x1;
	[dreg:$0x9] =	wrdreg s17;
	s21 =	smul.u32 $0x27100, s1  }
0xd: {  	s9 =	sshrl.u32 s7, $0x1;
	s3 =	sshrl.u32 s3, $0x2;
	s1 =	smul.u32 $0x138800, s1  }
0xe: {  	s7 =	ssub.s32 s7, s9;
	s8 =	sadd.s32 s10, s8;
	s3 =	sadd.s32 s3, s2  }
0xf: {  	s9 =	sadd.s32 s19, s11;
	s13 =	sshrl.u32 s13, $0x3;
	[dreg:$0x8] =	wrdreg s3  }
0x10: {  	s18 =	sshrl.u32 s8, $0x3;
	s3 =	sadd.s32 s10, s11;
	s13 =	sadd.s32 s0, s13  }
0x11: {  	s10 =	sadd.s32 s10, s21;
	s9 =	sadd.s32 s0, s9;
	s26 =	sadd.s32 s19, s21  }
0x12: {  	s1 =	sshrl.u32 s1, $0x3;
	s11 =	sadd.s32 $0x140, s8;
	s7 =	smax.u32 s7, $0x1  }
0x13: {  	s15 =	sadd.s32 s5, s18;
	s12 =	sshrl.u32 s3, $0x3;
	[dreg:$0xe] =	wrdreg s9  }
0x14: {  	s23 =	sadd.s32 $0x25080, s13;
	s24 =	sshrl.u32 s10, $0x3;
	s9 =	sadd.s32 s0, s26  }
0x15: {  	s0 =	sadd.s32 s0, s1;
	s13 =	sadd.s32 $0x271F0, s3;
	[dreg:$0x13] =	wrdreg s7  }
0x16: {  	s17 =	sadd.s32 $0x27240, s3;
	s19 =	sadd.s32 $0x271A0, s3;
	[dreg:$0xa] =	wrdreg s15  }
0x17: {  	s16 =	sadd.s32 s25, s12;
	s20 =	sadd.s32 $0xA, s15;
	[dreg:$0xf] =	wrdreg s23  }
0x18: {  	s10 =	sadd.s32 s25, s24;
	[dreg:$0x11] =	wrdreg s9;
	s0 =	sadd.s32 $0x25080, s0  }
0x19: {  	s12 =	sshrl.u32 s11, $0x3;
	s15 =	sshrl.u32 s13, $0x3;
	s18 =	sshrl.u32 s17, $0x3  }
0x1a: {  	s7 =	sshrl.u32 s19, $0x3;
	s23 =	sadd.s32 $0xA0, s3;
	[dreg:$0xc] =	wrdreg s20  }
0x1b: {  	s24 =	sadd.s32 $0xF0, s8;
	s9 =	simm.s32 $0x16380;
	[dreg:$0xb] =	wrdreg s16  }
0x1c: {  	s13 =	simm.s32 $0x4;
	s17 =	simm.s32 $0x5;
	[dreg:$0x12] =	wrdreg s0  }
0x1d: {  	s11 =	simm.s32 $0x2;
	s19 =	simm.s32 $0x13980;
	[dreg:$0x15] =	wrdreg s24  }
0x1e: {  	s22 =	sadd.s32 $0xA, s16;
	s20 =	sadd.s32 s12, s5;
	[dreg:$0x10] =	wrdreg s10  }
0x1f: {  	s16 =	sadd.s32 $0x140, s3;
	s0 =	sadd.s32 s15, s25;
	[dreg:$0xd] =	wrdreg s22  }
0x20: {  	s21 =	sadd.s32 s7, s25;
	s3 =	sadd.s32 $0xF0, s3;
	[dreg:$0x4] =	wrdreg s0  }
0x21: {  	s26 =	sadd.s32 $0xA, s10;
	s15 =	simm.s32 $0x8;
	[dreg:$0x6] =	wrdreg s21  }
0x22: {  	s7 =	simm.s32 $0x0;
	s1 =	sshrl.u32 s16, $0x3;
	[dreg:$0x16] =	wrdreg s3  }
0x23: {  	s0 =	sadd.s32 s18, s25;
	s22 =	sadd.s32 $0xA0, s8;
	[dreg:$0x18] =	wrdreg s26  }
0x24: {  	s3 =	simm.s32 $0x13A80;
	s8 =	simm.s32 $0x13900;
	s18 =	simm.s32 $0x13B00  }
0x25: {  	s16 =	simm.s32 $0x18B80;
	s26 =	simm.s32 $0x6;
	s1 =	sadd.s32 s1, s25  }
0x26: {  	[dreg:$0x5] =	wrdreg s0;
	s0 =	sshrl.u32 s23, $0x3;
	s23 =	simm.s32 $0x3  }
0x27: {  	[dreg:$0x14] =	wrdreg s1;
	s1 =	sshrl.u32 s22, $0x3;
	s0 =	sadd.s32 s0, s25  }
0x28: {  	s24 =	sadd.s32 s1, s5;
	[dreg:$0x17] =	wrdreg s0;
	s0 =	simm.s32 $0x13B80  }
.LBB2_1:
0x29: {  	[dreg:$0x19] =	wrdreg s7  }
0x2a: {  	s1 =	rddreg [dreg:$0x9]  }
0x2b: {  	s10 =	rddreg [dreg:$0x7];
	s7 =	sshrl.u32 @p0 s1, $0x3  }
0x2c: {  	s1 =	simm.s32 @p0 $0x1FC7;
	[dreg:$0x1a] =	wrdreg s7  }
0x2d: {  	[spmem:s7], [sflag:s1] =	dma.local @p0 [hbm:s10], $0x2080  }
0x2e: {  	s1 =	simm.s32 @p0 $0x7  }
0x2f: {  	s7 =	stileid.u32;
	_ =	swait.ge @p0 [sflag:s1], $0x2080  }
0x30: {  	s7 =	sshll.u32 @!p0 s7, $0x6;
	[sflag:s1] =	ssyncset.done @p0 $0x0  }
0x31: {  	s7 =	sor.u32 @!p0 $0x1C07, s7;
	[sflag:s1] =	ssyncadd.s32 @p0 $0xFFFFDF80;
	s1 =	rddreg [dreg:$0x8]  }
0x32: {  	[dreg:$0x1b] =	wrdreg s7;
	s1 =	sshrl.u32 @!p0 s1, $0x3  }
0x33: {  	[dreg:$0x1c] =	wrdreg s1  }
0x34: {  	[spmem:s1], [sflag:s7] =	dma.local @!p0 [hbm:s10], $0x2780  }
0x35: {  	s1 =	simm.s32 @!p0 $0x7  }
0x36: {  	_ =	swait.ge @!p0 [sflag:s1], $0x2780  }
0x37: {  	[sflag:s1] =	ssyncset.done @!p0 $0x0  }
0x38: {  	[sflag:s1] =	ssyncadd.s32 @!p0 $0xFFFFD880  }
0x39: {  	[bflag:$0x0] =	sbarrier.arrive $0xFFFF  }
0x3a: {  	s10 =	rddreg [dreg:$0xa]  }
0x3b: {  	[tilespmem:s28], [sflag:$0x4] =	stream.linear.gather [hbm4b:s10+s4], $0x50, $0x38;
	[tilespmem:$0x1B380] =	vst v63  }
0x3c: {  	s12 =	rddreg [dreg:$0xb]  }
0x3d: {  	[tilespmem:s29], [sflag:$0x7] =	stream.linear.gather [hbm4b:s12+s4], $0x50, $0x38;
	[tilespmem:$0x1B380] =	vst v63  }
0x3e: {  	_ =	swait.ge [sflag:s30], $0x50  }
0x3f: {  	[sflag:s30] =	ssyncset.done $0x0  }
0x40: {  	[sflag:s30] =	ssyncadd.s32 $0xFFFFFFB0  }
0x41: {  	[tilespmem:s0], [sflag:$0x1] =	stream.indirect.gather [hbm4b:s6+s31], $0x80, s29, s31, $0xb8;
	[tilespmem:$0x1B380] =	vst v63  }
0x42: {  	s21 =	rddreg [dreg:$0xc]  }
0x43: {  	[tilespmem:s3], [sflag:$0x5] =	stream.linear.gather [hbm4b:s21+s4], $0x50, $0x38;
	[tilespmem:$0x1B380] =	vst v63  }
0x44: {  	s22 =	rddreg [dreg:$0xd]  }
0x45: {  	[tilespmem:s8], [sflag:$0x7] =	stream.linear.gather [hbm4b:s22+s4], $0x50, $0x38;
	[tilespmem:$0x1B380] =	vst v63  }
0x46: {  	_ =	swait.ge [sflag:s30], $0x50  }
0x47: {  	[sflag:s30] =	ssyncset.done $0x0;
	s7 =	rddreg [dreg:$0x16]  }
0x48: {  	s12 =	simm.s32 $0x0;
	s10 =	rddreg [dreg:$0x15];
	[sflag:s30] =	ssyncadd.s32 $0xFFFFFFB0  }
0x49: {  	[tilespmem:s9], [sflag:$0x2] =	stream.indirect.gather [hbm4b:s6+s31], $0x80, s8, s31, $0xb8;
	[tilespmem:$0x1B380] =	vst v63  }
.LBB2_2:
0x4a: {  	p1 =	seq.s32 s12, $0x4CE  }
0x4b: {  	s1 =	sadd.s32 @!p1 s12, s24;
	s21 =	simm.s32 @!p1 $0x0;
	s22 =	simm.s32 @!p1 $0x13B00  }
0x4c: {  	[tilespmem:s22], [sflag:$0x6] =	stream.linear.gather @!p1 [hbm4b:s1+s21], $0x50, $0x38;
	[tilespmem:$0x1B380] =	vst v63  }
0x4d: {  	s1 =	rddreg [dreg:$0x17]  }
0x4e: {  	s22 =	simm.s32 @!p1 $0x13980;
	s1 =	sadd.s32 @!p1 s12, s1  }
0x4f: {  	[tilespmem:s22], [sflag:$0x8] =	stream.linear.gather @!p1 [hbm4b:s1+s21], $0x50, $0x38;
	[tilespmem:$0x1B380] =	vst v63  }
0x50: {  	s1 =	simm.s32 @!p1 $0x8  }
0x51: {  	_ =	swait.ge @!p1 [sflag:s1], $0x50  }
0x52: {  	[sflag:s1] =	ssyncset.done @!p1 $0x0  }
0x53: {  	s21 =	simm.s32 @!p1 $0x18B80;
	[sflag:s1] =	ssyncadd.s32 @!p1 $0xFFFFFFB0;
	s1 =	simm.s32 @!p1 $0x50  }
0x54: {  	[tilespmem:s21], [sflag:$0x3] =	stream.indirect.gather @!p1 [hbm4b:s6+s1], $0x80, s22, s1, $0xb8;
	[tilespmem:$0x1B380] =	vst v63  }
0x55: {  	_ =	swait.ge [sflag:s13], $0x50  }
0x56: {  	[sflag:s13] =	ssyncset.done $0x0  }
0x57: {  	[sflag:s13] =	ssyncadd.s32 $0xFFFFFFB0  }
0x58: {  	_ =	swait.ge [sflag:s14], $0x2800  }
0x59: {  	[sflag:s14] =	ssyncset.done $0x0  }
.Ltmp0:
0x5a: {  	[sflag:s14] =	ssyncadd.s32 $0xFFFFD800;
	(pc) =	sbr.rel @p1 .LBB2_4-.Ltmp0, $4  }
0x5b: {  	[spmem:s2] =	stream.indirect.scatter.add.f32 [tilespmem:s0], [sflag:$0x8], $0x80, s28, s31, $0xb8;
	[tilespmem:$0x1B380] =	vst v63  }
0x5c: {  	_ =	swait.ge [sflag:s15], $0x2800  }
0x5d: {  	[sflag:s15] =	ssyncset.done $0x0  }
0x5e: {  	[sflag:s15] =	ssyncadd.s32 $0xFFFFD800  }
0x5f: {  	s1 =	sshrl.u32 s10, $0x3  }
0x60: {  	s22 =	sshrl.u32 s7, $0x3;
	s1 =	sadd.s32 s5, s1  }
0x61: {  	[tilespmem:s28], [sflag:$0x4] =	stream.linear.gather [hbm4b:s1+s4], $0x50, $0x38;
	[tilespmem:$0x1B380] =	vst v63  }
0x62: {  	s1 =	sadd.s32 s25, s22  }
0x63: {  	[tilespmem:s29], [sflag:$0x8] =	stream.linear.gather [hbm4b:s1+s4], $0x50, $0x38;
	[tilespmem:$0x1B380] =	vst v63  }
0x64: {  	_ =	swait.ge [sflag:s15], $0x50  }
0x65: {  	[sflag:s15] =	ssyncset.done $0x0  }
0x66: {  	[sflag:s15] =	ssyncadd.s32 $0xFFFFFFB0  }
0x67: {  	[tilespmem:s0], [sflag:$0x1] =	stream.indirect.gather [hbm4b:s6+s31], $0x80, s29, s31, $0xb8;
	[tilespmem:$0x1B380] =	vst v63  }
0x68: {  	_ =	swait.ge [sflag:s17], $0x50  }
0x69: {  	[sflag:s17] =	ssyncset.done $0x0  }
0x6a: {  	[sflag:s17] =	ssyncadd.s32 $0xFFFFFFB0  }
0x6b: {  	_ =	swait.ge [sflag:s11], $0x2800  }
0x6c: {  	[sflag:s11] =	ssyncset.done $0x0  }
0x6d: {  	[sflag:s11] =	ssyncadd.s32 $0xFFFFD800  }
0x6e: {  	[spmem:s2] =	stream.indirect.scatter.add.f32 [tilespmem:s9], [sflag:$0x8], $0x80, s3, s31, $0xb8;
	[tilespmem:$0x1B380] =	vst v63  }
0x6f: {  	_ =	swait.ge [sflag:s15], $0x2800  }
0x70: {  	[sflag:s15] =	ssyncset.done $0x0  }
0x71: {  	s21 =	sadd.s32 s12, s20;
	s22 =	rddreg [dreg:$0x14];
	[sflag:s15] =	ssyncadd.s32 $0xFFFFD800  }
0x72: {  	[tilespmem:s3], [sflag:$0x5] =	stream.linear.gather [hbm4b:s21+s4], $0x50, $0x38;
	[tilespmem:$0x1B380] =	vst v63  }
0x73: {  	s1 =	sadd.s32 s12, s22  }
0x74: {  	[tilespmem:s8], [sflag:$0x8] =	stream.linear.gather [hbm4b:s1+s4], $0x50, $0x38;
	[tilespmem:$0x1B380] =	vst v63  }
0x75: {  	_ =	swait.ge [sflag:s15], $0x50  }
0x76: {  	[sflag:s15] =	ssyncset.done $0x0  }
0x77: {  	[sflag:s15] =	ssyncadd.s32 $0xFFFFFFB0  }
0x78: {  	[tilespmem:s9], [sflag:$0x2] =	stream.indirect.gather [hbm4b:s6+s31], $0x80, s8, s31, $0xb8;
	[tilespmem:$0x1B380] =	vst v63  }
0x79: {  	_ =	swait.ge [sflag:s26], $0x50  }
0x7a: {  	[sflag:s26] =	ssyncset.done $0x0  }
0x7b: {  	[sflag:s26] =	ssyncadd.s32 $0xFFFFFFB0  }
0x7c: {  	_ =	swait.ge [sflag:s23], $0x2800  }
0x7d: {  	[sflag:s23] =	ssyncset.done $0x0  }
.Ltmp1:
0x7e: {  	[sflag:s23] =	ssyncadd.s32 $0xFFFFD800;
	(pc) =	sbr.rel .LBB2_2-.Ltmp1, $4  }
0x7f: {  	[spmem:s2] =	stream.indirect.scatter.add.f32 [tilespmem:s16], [sflag:$0x7], $0x80, s18, s31, $0xb8;
	[tilespmem:$0x1B380] =	vst v63  }
0x80: {  	_ =	swait.ge [sflag:s30], $0x2800  }
0x81: {  	s10 =	sadd.s32 $0xF0, s10;
	[sflag:s30] =	ssyncset.done $0x0  }
0x82: {  	s7 =	sadd.s32 $0xF0, s7;
	s12 =	sadd.s32 $0x1E, s12;
	[sflag:s30] =	ssyncadd.s32 $0xFFFFD800  }
.LBB2_4:
0x83: {  	_ =	swait.ge [sflag:s17], $0x50  }
0x84: {  	[sflag:s17] =	ssyncset.done $0x0  }
0x85: {  	[sflag:s17] =	ssyncadd.s32 $0xFFFFFFB0  }
0x86: {  	_ =	swait.ge [sflag:s11], $0x2800  }
0x87: {  	[sflag:s11] =	ssyncset.done $0x0  }
0x88: {  	[sflag:s11] =	ssyncadd.s32 $0xFFFFD800  }
0x89: {  	[spmem:s2] =	stream.indirect.scatter.add.f32 [tilespmem:s9], [sflag:$0x8], $0x80, s3, s31, $0xb8;
	[tilespmem:$0x1B380] =	vst v63  }
0x8a: {  	_ =	swait.ge [sflag:s15], $0x2800  }
0x8b: {  	[sflag:s15] =	ssyncset.done $0x0  }
0x8c: {  	[sflag:s15] =	ssyncadd.s32 $0xFFFFD800  }
0x8d: {  	[bflag:$0x0] =	sbarrier.arrive $0xFFFF  }
0x8e: {  	s7 =	rddreg [dreg:$0xf]  }
0x8f: {  	s1 =	simm.s32 @p0 $0x1FC7;
	s12 =	rddreg [dreg:$0x1a]  }
0x90: {  	[hbm:s7], [sflag:s1] =	dma.local @p0 [spmem:s12], $0x2080  }
0x91: {  	s7 =	simm.s32 @p0 $0x7  }
0x92: {  	_ =	swait.ge @p0 [sflag:s7], $0x2080  }
0x93: {  	[sflag:s7] =	ssyncset.done @p0 $0x0  }
0x94: {  	[sflag:s7] =	ssyncadd.s32 @p0 $0xFFFFDF80  }
0x95: {  	[bflag:$0x0] =	sbarrier.arrive @p0 $0xFFFF  }
0x96: {  	s10 =	rddreg [dreg:$0x7]  }
0x97: {  	[spmem:s12], [sflag:s1] =	dma.local @p0 [hbm:s10], $0x2080  }
0x98: {  	_ =	swait.ge @p0 [sflag:s7], $0x2080  }
0x99: {  	s1 =	rddreg [dreg:$0xe]  }
0x9a: {  	[sflag:s7] =	ssyncset.done @p0 $0x0;
	s12 =	rddreg [dreg:$0x1c]  }
0x9b: {  	[sflag:s7] =	ssyncadd.s32 @p0 $0xFFFFDF80;
	s7 =	rddreg [dreg:$0x1b]  }
0x9c: {  	[hbm:s1], [sflag:s7] =	dma.local @!p0 [spmem:s12], $0x2780  }
0x9d: {  	s1 =	simm.s32 @!p0 $0x7  }
0x9e: {  	_ =	swait.ge @!p0 [sflag:s1], $0x2780  }
0x9f: {  	[sflag:s1] =	ssyncset.done @!p0 $0x0  }
0xa0: {  	[sflag:s1] =	ssyncadd.s32 @!p0 $0xFFFFD880  }
0xa1: {  	[bflag:$0x0] =	sbarrier.arrive @!p0 $0xFFFF  }
0xa2: {  	[spmem:s12], [sflag:s7] =	dma.local @!p0 [hbm:s10], $0x2780  }
0xa3: {  	_ =	swait.ge @!p0 [sflag:s1], $0x2780  }
0xa4: {  	[sflag:s1] =	ssyncset.done @!p0 $0x0  }
0xa5: {  	[sflag:s1] =	ssyncadd.s32 @!p0 $0xFFFFD880  }
0xa6: {  	[bflag:$0x0] =	sbarrier.arrive $0xFFFF  }
0xa7: {  	s22 =	simm.s32 $0x0;
	s25 =	rddreg [dreg:$0xa]  }
0xa8: {  	[tilespmem:s28], [sflag:$0x4] =	stream.linear.gather [hbm4b:s25+s22], $0x50, $0x38;
	[tilespmem:$0x1B380] =	vst v63  }
0xa9: {  	s10 =	rddreg [dreg:$0x10]  }
0xaa: {  	[tilespmem:s29], [sflag:$0x7] =	stream.linear.gather [hbm4b:s10+s22], $0x50, $0x38;
	[tilespmem:$0x1B380] =	vst v63  }
0xab: {  	_ =	swait.ge [sflag:s30], $0x50  }
0xac: {  	[sflag:s30] =	ssyncset.done $0x0  }
0xad: {  	[sflag:s30] =	ssyncadd.s32 $0xFFFFFFB0  }
0xae: {  	[tilespmem:s0], [sflag:$0x1] =	stream.indirect.gather [hbm4b:s6+s31], $0x80, s29, s31, $0xb8;
	[tilespmem:$0x1B380] =	vst v63  }
0xaf: {  	s12 =	rddreg [dreg:$0xc]  }
0xb0: {  	[tilespmem:s3], [sflag:$0x5] =	stream.linear.gather [hbm4b:s12+s22], $0x50, $0x38;
	[tilespmem:$0x1B380] =	vst v63  }
0xb1: {  	s21 =	rddreg [dreg:$0x18]  }
0xb2: {  	[tilespmem:s8], [sflag:$0x7] =	stream.linear.gather [hbm4b:s21+s22], $0x50, $0x38;
	[tilespmem:$0x1B380] =	vst v63  }
0xb3: {  	_ =	swait.ge [sflag:s30], $0x50  }
0xb4: {  	[sflag:s30] =	ssyncset.done $0x0  }
0xb5: {  	[sflag:s30] =	ssyncadd.s32 $0xFFFFFFB0  }
0xb6: {  	[tilespmem:s9], [sflag:$0x2] =	stream.indirect.gather [hbm4b:s6+s31], $0x80, s8, s31, $0xb8;
	[tilespmem:$0x1B380] =	vst v63  }
0xb7: {  	s25 =	sadd.s32 $0x0, s24;
	s22 =	rddreg [dreg:$0x6]  }
0xb8: {  	[tilespmem:s18], [sflag:$0x6] =	stream.linear.gather [hbm4b:s25+s4], $0x50, $0x38;
	[tilespmem:$0x1B380] =	vst v63  }
0xb9: {  	s1 =	sadd.s32 $0x0, s22  }
0xba: {  	[tilespmem:s19], [sflag:$0x8] =	stream.linear.gather [hbm4b:s1+s4], $0x50, $0x38;
	[tilespmem:$0x1B380] =	vst v63  }
0xbb: {  	_ =	swait.ge [sflag:s15], $0x50  }
0xbc: {  	[sflag:s15] =	ssyncset.done $0x0  }
0xbd: {  	[sflag:s15] =	ssyncadd.s32 $0xFFFFFFB0  }
0xbe: {  	[tilespmem:s16], [sflag:$0x3] =	stream.indirect.gather [hbm4b:s6+s31], $0x80, s19, s31, $0xb8;
	[tilespmem:$0x1B380] =	vst v63  }
0xbf: {  	_ =	swait.ge [sflag:s13], $0x50  }
0xc0: {  	[sflag:s13] =	ssyncset.done $0x0  }
0xc1: {  	[sflag:s13] =	ssyncadd.s32 $0xFFFFFFB0  }
0xc2: {  	_ =	swait.ge [sflag:s14], $0x2800  }
0xc3: {  	[sflag:s14] =	ssyncset.done $0x0  }
0xc4: {  	[sflag:s14] =	ssyncadd.s32 $0xFFFFD800  }
0xc5: {  	[spmem:s2] =	stream.indirect.scatter.add.f32 [tilespmem:s0], [sflag:$0x8], $0x80, s28, s31, $0xb8;
	[tilespmem:$0x1B380] =	vst v63  }
0xc6: {  	_ =	swait.ge [sflag:s15], $0x2800  }
0xc7: {  	s12 =	rddreg [dreg:$0x15]  }
0xc8: {  	[sflag:s15] =	ssyncset.done $0x0;
	s7 =	sshrl.u32 s12, $0x3  }
0xc9: {  	s10 =	rddreg [dreg:$0x4];
	[sflag:s15] =	ssyncadd.s32 $0xFFFFD800;
	s1 =	sadd.s32 s5, s7  }
0xca: {  	[tilespmem:s28], [sflag:$0x4] =	stream.linear.gather [hbm4b:s1+s4], $0x50, $0x38;
	[tilespmem:$0x1B380] =	vst v63  }
0xcb: {  	s21 =	sadd.s32 $0x0, s10  }
0xcc: {  	[tilespmem:s29], [sflag:$0x8] =	stream.linear.gather [hbm4b:s21+s4], $0x50, $0x38;
	[tilespmem:$0x1B380] =	vst v63  }
0xcd: {  	_ =	swait.ge [sflag:s15], $0x50  }
0xce: {  	[sflag:s15] =	ssyncset.done $0x0  }
0xcf: {  	[sflag:s15] =	ssyncadd.s32 $0xFFFFFFB0  }
0xd0: {  	[tilespmem:s0], [sflag:$0x1] =	stream.indirect.gather [hbm4b:s6+s31], $0x80, s29, s31, $0xb8;
	[tilespmem:$0x1B380] =	vst v63  }
0xd1: {  	_ =	swait.ge [sflag:s17], $0x50  }
0xd2: {  	[sflag:s17] =	ssyncset.done $0x0  }
0xd3: {  	[sflag:s17] =	ssyncadd.s32 $0xFFFFFFB0  }
0xd4: {  	_ =	swait.ge [sflag:s11], $0x2800  }
0xd5: {  	[sflag:s11] =	ssyncset.done $0x0  }
0xd6: {  	[sflag:s11] =	ssyncadd.s32 $0xFFFFD800  }
0xd7: {  	[spmem:s2] =	stream.indirect.scatter.add.f32 [tilespmem:s9], [sflag:$0x8], $0x80, s3, s31, $0xb8;
	[tilespmem:$0x1B380] =	vst v63  }
0xd8: {  	_ =	swait.ge [sflag:s15], $0x2800  }
0xd9: {  	[sflag:s15] =	ssyncset.done $0x0  }
0xda: {  	s25 =	sadd.s32 $0x0, s20;
	s22 =	rddreg [dreg:$0x5];
	[sflag:s15] =	ssyncadd.s32 $0xFFFFD800  }
0xdb: {  	[tilespmem:s3], [sflag:$0x5] =	stream.linear.gather [hbm4b:s25+s4], $0x50, $0x38;
	[tilespmem:$0x1B380] =	vst v63  }
0xdc: {  	s1 =	sadd.s32 $0x0, s22  }
0xdd: {  	[tilespmem:s8], [sflag:$0x8] =	stream.linear.gather [hbm4b:s1+s4], $0x50, $0x38;
	[tilespmem:$0x1B380] =	vst v63  }
0xde: {  	_ =	swait.ge [sflag:s15], $0x50  }
0xdf: {  	[sflag:s15] =	ssyncset.done $0x0  }
0xe0: {  	[sflag:s15] =	ssyncadd.s32 $0xFFFFFFB0  }
0xe1: {  	[tilespmem:s9], [sflag:$0x2] =	stream.indirect.gather [hbm4b:s6+s31], $0x80, s8, s31, $0xb8;
	[tilespmem:$0x1B380] =	vst v63  }
0xe2: {  	_ =	swait.ge [sflag:s26], $0x50  }
0xe3: {  	[sflag:s26] =	ssyncset.done $0x0  }
0xe4: {  	[sflag:s26] =	ssyncadd.s32 $0xFFFFFFB0  }
0xe5: {  	_ =	swait.ge [sflag:s23], $0x2800  }
0xe6: {  	[sflag:s23] =	ssyncset.done $0x0  }
0xe7: {  	[sflag:s23] =	ssyncadd.s32 $0xFFFFD800  }
0xe8: {  	[spmem:s2] =	stream.indirect.scatter.add.f32 [tilespmem:s16], [sflag:$0x7], $0x80, s18, s31, $0xb8;
	[tilespmem:$0x1B380] =	vst v63  }
0xe9: {  	s10 =	simm.s32 $0x1E;
	s7 =	simm.s32 $0x3C;
	_ =	swait.ge [sflag:s30], $0x2800  }
0xea: {  	s22 =	sadd.s32 $0xF0, s12;
	s1 =	rddreg [dreg:$0x6];
	[sflag:s30] =	ssyncset.done $0x0  }
.LBB2_5:
0xeb: {  	s25 =	sadd.s32 s10, s24;
	[sflag:s30] =	ssyncadd.s32 $0xFFFFD800  }
0xec: {  	[tilespmem:s18], [sflag:$0x6] =	stream.linear.gather [hbm4b:s25+s4], $0x50, $0x38;
	[tilespmem:$0x1B380] =	vst v63  }
0xed: {  	s1 =	sadd.s32 s10, s1  }
0xee: {  	[tilespmem:s19], [sflag:$0x8] =	stream.linear.gather [hbm4b:s1+s4], $0x50, $0x38;
	[tilespmem:$0x1B380] =	vst v63  }
0xef: {  	_ =	swait.ge [sflag:s15], $0x50  }
0xf0: {  	[sflag:s15] =	ssyncset.done $0x0  }
0xf1: {  	[sflag:s15] =	ssyncadd.s32 $0xFFFFFFB0  }
0xf2: {  	[tilespmem:s16], [sflag:$0x3] =	stream.indirect.gather [hbm4b:s6+s31], $0x80, s19, s31, $0xb8;
	[tilespmem:$0x1B380] =	vst v63  }
0xf3: {  	_ =	swait.ge [sflag:s13], $0x50  }
0xf4: {  	[sflag:s13] =	ssyncset.done $0x0  }
0xf5: {  	[sflag:s13] =	ssyncadd.s32 $0xFFFFFFB0  }
0xf6: {  	_ =	swait.ge [sflag:s14], $0x2800  }
0xf7: {  	[sflag:s14] =	ssyncset.done $0x0  }
0xf8: {  	[sflag:s14] =	ssyncadd.s32 $0xFFFFD800  }
0xf9: {  	[spmem:s2] =	stream.indirect.scatter.add.f32 [tilespmem:s0], [sflag:$0x8], $0x80, s28, s31, $0xb8;
	[tilespmem:$0x1B380] =	vst v63  }
0xfa: {  	s12 =	smov.u32 s7;
	s21 =	sadd.s32 $0x1E, s7;
	_ =	swait.ge [sflag:s15], $0x2800  }
0xfb: {  	p1 =	sne.s32 s7, $0x4B0;
	s7 =	sshrl.u32 s22, $0x3;
	[sflag:s15] =	ssyncset.done $0x0  }
0xfc: {  	s1 =	sadd.s32 s5, s7;
	s25 =	rddreg [dreg:$0x4];
	[sflag:s15] =	ssyncadd.s32 $0xFFFFD800  }
0xfd: {  	[tilespmem:s28], [sflag:$0x4] =	stream.linear.gather [hbm4b:s1+s4], $0x50, $0x38;
	[tilespmem:$0x1B380] =	vst v63  }
0xfe: {  	s7 =	sadd.s32 s10, s25  }
0xff: {  	[tilespmem:s29], [sflag:$0x8] =	stream.linear.gather [hbm4b:s7+s4], $0x50, $0x38;
	[tilespmem:$0x1B380] =	vst v63  }
0x100: {  	_ =	swait.ge [sflag:s15], $0x50  }
0x101: {  	[sflag:s15] =	ssyncset.done $0x0  }
0x102: {  	[sflag:s15] =	ssyncadd.s32 $0xFFFFFFB0  }
0x103: {  	[tilespmem:s0], [sflag:$0x1] =	stream.indirect.gather [hbm4b:s6+s31], $0x80, s29, s31, $0xb8;
	[tilespmem:$0x1B380] =	vst v63  }
0x104: {  	_ =	swait.ge [sflag:s17], $0x50  }
0x105: {  	[sflag:s17] =	ssyncset.done $0x0  }
0x106: {  	[sflag:s17] =	ssyncadd.s32 $0xFFFFFFB0  }
0x107: {  	_ =	swait.ge [sflag:s11], $0x2800  }
0x108: {  	[sflag:s11] =	ssyncset.done $0x0  }
0x109: {  	[sflag:s11] =	ssyncadd.s32 $0xFFFFD800  }
0x10a: {  	[spmem:s2] =	stream.indirect.scatter.add.f32 [tilespmem:s9], [sflag:$0x8], $0x80, s3, s31, $0xb8;
	[tilespmem:$0x1B380] =	vst v63  }
0x10b: {  	_ =	swait.ge [sflag:s15], $0x2800  }
0x10c: {  	[sflag:s15] =	ssyncset.done $0x0  }
0x10d: {  	s25 =	sadd.s32 s10, s20;
	s1 =	rddreg [dreg:$0x5];
	[sflag:s15] =	ssyncadd.s32 $0xFFFFD800  }
0x10e: {  	[tilespmem:s3], [sflag:$0x5] =	stream.linear.gather [hbm4b:s25+s4], $0x50, $0x38;
	[tilespmem:$0x1B380] =	vst v63  }
0x10f: {  	s1 =	sadd.s32 s10, s1  }
0x110: {  	[tilespmem:s8], [sflag:$0x8] =	stream.linear.gather [hbm4b:s1+s4], $0x50, $0x38;
	[tilespmem:$0x1B380] =	vst v63  }
0x111: {  	_ =	swait.ge [sflag:s15], $0x50  }
0x112: {  	[sflag:s15] =	ssyncset.done $0x0  }
0x113: {  	[sflag:s15] =	ssyncadd.s32 $0xFFFFFFB0  }
0x114: {  	[tilespmem:s9], [sflag:$0x2] =	stream.indirect.gather [hbm4b:s6+s31], $0x80, s8, s31, $0xb8;
	[tilespmem:$0x1B380] =	vst v63  }
0x115: {  	_ =	swait.ge [sflag:s26], $0x50  }
0x116: {  	[sflag:s26] =	ssyncset.done $0x0  }
0x117: {  	[sflag:s26] =	ssyncadd.s32 $0xFFFFFFB0  }
0x118: {  	_ =	swait.ge [sflag:s23], $0x2800  }
.Ltmp2:
0x119: {  	[sflag:s23] =	ssyncset.done $0x0;
	(pc) =	sbr.rel @p1 .LBB2_5-.Ltmp2, $4  }
0x11a: {  	[sflag:s23] =	ssyncadd.s32 $0xFFFFD800  }
0x11b: {  	[spmem:s2] =	stream.indirect.scatter.add.f32 [tilespmem:s16], [sflag:$0x7], $0x80, s18, s31, $0xb8;
	[tilespmem:$0x1B380] =	vst v63  }
0x11c: {  	s22 =	sadd.s32 $0xF0, s22;
	s7 =	smov.u32 s21;
	_ =	swait.ge [sflag:s30], $0x2800  }
0x11d: {  	s10 =	smov.u32 s12;
	s1 =	rddreg [dreg:$0x6];
	[sflag:s30] =	ssyncset.done $0x0  }
0x11e: {  	s7 =	sadd.s32 s10, s24;
	[sflag:s30] =	ssyncadd.s32 $0xFFFFD800  }
0x11f: {  	[tilespmem:s18], [sflag:$0x6] =	stream.linear.gather [hbm4b:s7+s4], $0x50, $0x38;
	[tilespmem:$0x1B380] =	vst v63  }
0x120: {  	s1 =	sadd.s32 s10, s1  }
0x121: {  	[tilespmem:s19], [sflag:$0x8] =	stream.linear.gather [hbm4b:s1+s4], $0x50, $0x38;
	[tilespmem:$0x1B380] =	vst v63  }
0x122: {  	_ =	swait.ge [sflag:s15], $0x50  }
0x123: {  	[sflag:s15] =	ssyncset.done $0x0  }
0x124: {  	[sflag:s15] =	ssyncadd.s32 $0xFFFFFFB0  }
0x125: {  	[tilespmem:s16], [sflag:$0x3] =	stream.indirect.gather [hbm4b:s6+s31], $0x80, s19, s31, $0xb8;
	[tilespmem:$0x1B380] =	vst v63  }
0x126: {  	_ =	swait.ge [sflag:s13], $0x50  }
0x127: {  	[sflag:s13] =	ssyncset.done $0x0  }
0x128: {  	[sflag:s13] =	ssyncadd.s32 $0xFFFFFFB0  }
0x129: {  	_ =	swait.ge [sflag:s14], $0x2800  }
0x12a: {  	[sflag:s14] =	ssyncset.done $0x0  }
0x12b: {  	[sflag:s14] =	ssyncadd.s32 $0xFFFFD800  }
0x12c: {  	[spmem:s2] =	stream.indirect.scatter.add.f32 [tilespmem:s0], [sflag:$0x8], $0x80, s28, s31, $0xb8;
	[tilespmem:$0x1B380] =	vst v63  }
0x12d: {  	_ =	swait.ge [sflag:s15], $0x2800  }
0x12e: {  	s22 =	sshrl.u32 s22, $0x3;
	[sflag:s15] =	ssyncset.done $0x0  }
0x12f: {  	s1 =	sadd.s32 s5, s22;
	s25 =	rddreg [dreg:$0x4];
	[sflag:s15] =	ssyncadd.s32 $0xFFFFD800  }
0x130: {  	[tilespmem:s28], [sflag:$0x4] =	stream.linear.gather [hbm4b:s1+s4], $0x50, $0x38;
	[tilespmem:$0x1B380] =	vst v63  }
0x131: {  	s7 =	sadd.s32 s10, s25  }
0x132: {  	[tilespmem:s29], [sflag:$0x8] =	stream.linear.gather [hbm4b:s7+s4], $0x50, $0x38;
	[tilespmem:$0x1B380] =	vst v63  }
0x133: {  	_ =	swait.ge [sflag:s15], $0x50  }
0x134: {  	[sflag:s15] =	ssyncset.done $0x0  }
0x135: {  	[sflag:s15] =	ssyncadd.s32 $0xFFFFFFB0  }
0x136: {  	[tilespmem:s0], [sflag:$0x1] =	stream.indirect.gather [hbm4b:s6+s31], $0x80, s29, s31, $0xb8;
	[tilespmem:$0x1B380] =	vst v63  }
0x137: {  	_ =	swait.ge [sflag:s17], $0x50  }
0x138: {  	[sflag:s17] =	ssyncset.done $0x0  }
0x139: {  	[sflag:s17] =	ssyncadd.s32 $0xFFFFFFB0  }
0x13a: {  	_ =	swait.ge [sflag:s11], $0x2800  }
0x13b: {  	[sflag:s11] =	ssyncset.done $0x0  }
0x13c: {  	[sflag:s11] =	ssyncadd.s32 $0xFFFFD800  }
0x13d: {  	[spmem:s2] =	stream.indirect.scatter.add.f32 [tilespmem:s9], [sflag:$0x8], $0x80, s3, s31, $0xb8;
	[tilespmem:$0x1B380] =	vst v63  }
0x13e: {  	_ =	swait.ge [sflag:s15], $0x2800  }
0x13f: {  	[sflag:s15] =	ssyncset.done $0x0  }
0x140: {  	s21 =	sadd.s32 s10, s20;
	s12 =	rddreg [dreg:$0x5];
	[sflag:s15] =	ssyncadd.s32 $0xFFFFD800  }
0x141: {  	[tilespmem:s3], [sflag:$0x5] =	stream.linear.gather [hbm4b:s21+s4], $0x50, $0x38;
	[tilespmem:$0x1B380] =	vst v63  }
0x142: {  	s1 =	sadd.s32 s10, s12  }
0x143: {  	[tilespmem:s8], [sflag:$0x8] =	stream.linear.gather [hbm4b:s1+s4], $0x50, $0x38;
	[tilespmem:$0x1B380] =	vst v63  }
0x144: {  	_ =	swait.ge [sflag:s15], $0x50  }
0x145: {  	[sflag:s15] =	ssyncset.done $0x0  }
0x146: {  	[sflag:s15] =	ssyncadd.s32 $0xFFFFFFB0  }
0x147: {  	[tilespmem:s9], [sflag:$0x2] =	stream.indirect.gather [hbm4b:s6+s31], $0x80, s8, s31, $0xb8;
	[tilespmem:$0x1B380] =	vst v63  }
0x148: {  	_ =	swait.ge [sflag:s26], $0x50  }
0x149: {  	[sflag:s26] =	ssyncset.done $0x0  }
0x14a: {  	[sflag:s26] =	ssyncadd.s32 $0xFFFFFFB0  }
0x14b: {  	_ =	swait.ge [sflag:s23], $0x2800  }
0x14c: {  	[sflag:s23] =	ssyncset.done $0x0  }
0x14d: {  	[sflag:s23] =	ssyncadd.s32 $0xFFFFD800  }
0x14e: {  	[spmem:s2] =	stream.indirect.scatter.add.f32 [tilespmem:s16], [sflag:$0x7], $0x80, s18, s31, $0xb8;
	[tilespmem:$0x1B380] =	vst v63  }
0x14f: {  	_ =	swait.ge [sflag:s30], $0x2800  }
0x150: {  	[sflag:s30] =	ssyncset.done $0x0  }
0x151: {  	[sflag:s30] =	ssyncadd.s32 $0xFFFFD800  }
0x152: {  	_ =	swait.ge [sflag:s13], $0x50  }
0x153: {  	[sflag:s13] =	ssyncset.done $0x0  }
0x154: {  	[sflag:s13] =	ssyncadd.s32 $0xFFFFFFB0  }
0x155: {  	_ =	swait.ge [sflag:s14], $0x2800  }
0x156: {  	[sflag:s14] =	ssyncset.done $0x0  }
0x157: {  	[sflag:s14] =	ssyncadd.s32 $0xFFFFD800  }
0x158: {  	[spmem:s2] =	stream.indirect.scatter.add.f32 [tilespmem:s0], [sflag:$0x8], $0x80, s28, s31, $0xb8;
	[tilespmem:$0x1B380] =	vst v63  }
0x159: {  	_ =	swait.ge [sflag:s15], $0x2800  }
0x15a: {  	[sflag:s15] =	ssyncset.done $0x0  }
0x15b: {  	[sflag:s15] =	ssyncadd.s32 $0xFFFFD800  }
0x15c: {  	_ =	swait.ge [sflag:s17], $0x50  }
0x15d: {  	[sflag:s17] =	ssyncset.done $0x0  }
0x15e: {  	[sflag:s17] =	ssyncadd.s32 $0xFFFFFFB0  }
0x15f: {  	_ =	swait.ge [sflag:s11], $0x2800  }
0x160: {  	[sflag:s11] =	ssyncset.done $0x0  }
0x161: {  	[sflag:s11] =	ssyncadd.s32 $0xFFFFD800  }
0x162: {  	[spmem:s2] =	stream.indirect.scatter.add.f32 [tilespmem:s9], [sflag:$0x8], $0x80, s3, s31, $0xb8;
	[tilespmem:$0x1B380] =	vst v63  }
0x163: {  	_ =	swait.ge [sflag:s15], $0x2800  }
0x164: {  	[sflag:s15] =	ssyncset.done $0x0  }
0x165: {  	[sflag:s15] =	ssyncadd.s32 $0xFFFFD800  }
0x166: {  	[bflag:$0x0] =	sbarrier.arrive $0xFFFF  }
0x167: {  	s7 =	rddreg [dreg:$0x12]  }
0x168: {  	s1 =	simm.s32 @p0 $0x1FC7;
	s10 =	rddreg [dreg:$0x1a]  }
0x169: {  	[hbm:s7], [sflag:s1] =	dma.local @p0 [spmem:s10], $0x2080  }
0x16a: {  	s1 =	simm.s32 @p0 $0x7  }
0x16b: {  	_ =	swait.ge @p0 [sflag:s1], $0x2080  }
0x16c: {  	s7 =	rddreg [dreg:$0x1b]  }
0x16d: {  	[sflag:s1] =	ssyncset.done @p0 $0x0;
	s10 =	rddreg [dreg:$0x1c]  }
0x16e: {  	[sflag:s1] =	ssyncadd.s32 @p0 $0xFFFFDF80;
	s1 =	rddreg [dreg:$0x11]  }
0x16f: {  	[hbm:s1], [sflag:s7] =	dma.local @!p0 [spmem:s10], $0x2780  }
0x170: {  	s1 =	simm.s32 @!p0 $0x7  }
0x171: {  	_ =	swait.ge @!p0 [sflag:s1], $0x2780  }
0x172: {  	s22 =	rddreg [dreg:$0x19]  }
0x173: {  	s25 =	rddreg [dreg:$0x13];
	s7 =	sadd.s32 $0x1, s22  }
0x174: {  	p1 =	sne.s32 s7, s25  }
.Ltmp3:
0x175: {  	_ = 	snop;
	(pc) =	sbr.rel @p1 .LBB2_1-.Ltmp3, $4  }
0x176: {  	[sflag:s1] =	ssyncset.done @!p0 $0x0  }
0x177: {  	[sflag:s1] =	ssyncadd.s32 @!p0 $0xFFFFD880  }
0x178: {  	[bflag:$0x0] =	sbarrier.arrive $0xFFFF  }
0x179: {  	s25 =	rddreg [dreg:$0x0]  }
0x17a: {  	_ =	sfence.sel $0x180000  }
0x17b: {  	[bflag:$0x0] =	sbarrier.arrive $0xFFFF  }
0x17c: {  	_ =	strace $0x90000047  }
0x17d: {  	s0 =	stileid.u32;
	[bflag:$0x2] =	sbarrier.arrive $0xFFFF  }
0x17e: {  	p0 =	sne.s32 s0, $0x0;
	s0 =	rddreg [dreg:$0x3]  }
0x17f: {  	s0 =	sadd.s32 @!p0 $0x100000, s0  }
0x180: {  	[sflag:s0] =	ssyncadd.tile.s32 @!p0 $0x1;
	_ =	shalt  }
.Lfunc_end2:
_tile_overlayer_lowered:
.L_overlay_start_2:
0x181: {  	(tag) =	ssettag $0x2  }
0x182: {  	s0 =	rddreg [dreg:$0x0];
	s2 =	stileid.u32  }
0x183: {  	s1 =	rddreg [dreg:$0x1];
	p0 =	sne.s32 s2, $0x0  }
0x184: {  	s3 =	rddreg [dreg:$0x2];
	[bflag:$0x3] =	sbarrier.arrive $0xFFFF;
	s2 =	simm.s32 @!p0 $0x1C07  }
0x185: {  	[timem:s3], [sflag:s2] =	dma.local @!p0 [hbm:s0], s1  }
0x186: {  	s0 =	simm.s32 @!p0 $0x7  }
0x187: {  	_ =	swait.ge @!p0 [sflag:s0], s1  }
0x188: {  	s1 =	ssub.s32 @!p0 $0x0, s1;
	[sflag:s0] =	ssyncset.done @!p0 $0x0  }
0x189: {  	[sflag:s0] =	ssyncadd.s32 @!p0 s1  }
0x18a: {  	[bflag:$0x3] =	sbarrier.arrive $0xFFFF  }
0x18b: {  	_ =	shalt  }

</sc_bundles>
